<compile_context>
chip_gen: v7x
topology: tpu7x:2x2x1
jax: 0.10.2.dev20260603
libtpu: 0.0.44.dev20260713+nightly
codegen_flags: <defaults>
</compile_context>

<pallas_src>
import functools

import jax
import jax.numpy as jnp
from jax import lax
from jax.experimental import pallas as pl
from jax.experimental.pallas import tpu as pltpu
from jax.experimental.pallas import tpu_sc as plsc

NUM_CORES = 2
NUM_SUBCORES = 16
LANES = 16
NUM_WORKERS = NUM_CORES * NUM_SUBCORES

IDX_HALF = 8192
OUT_CHUNK = 4096


def _make_gather(n_trees, n_leaves, batch, n_classes):
  n_pairs = n_trees * n_classes
  pairs_per_worker = n_pairs // NUM_WORKERS
  assert n_pairs == pairs_per_worker * NUM_WORKERS
  assert batch == 2 * IDX_HALF and IDX_HALF == 2 * OUT_CHUNK

  mesh = plsc.VectorSubcoreMesh(
      core_axis_name="c", subcore_axis_name="s",
      num_cores=NUM_CORES, num_subcores=NUM_SUBCORES)

  @functools.partial(
      pl.kernel,
      mesh=mesh,
      compiler_params=pltpu.CompilerParams(
          use_tc_tiling_on_sc=True, needs_layout_passes=False),
      out_type=jax.ShapeDtypeStruct((n_trees, n_classes, batch), jnp.float32),
      scratch_types=[
          pltpu.VMEM((n_leaves,), jnp.float32),
          pltpu.VMEM((2, IDX_HALF), jnp.int32),
          pltpu.VMEM((2, OUT_CHUNK), jnp.float32),
          pltpu.SemaphoreType.DMA,
      ]
      + [pltpu.SemaphoreType.DMA] * 2
      + [pltpu.SemaphoreType.DMA] * 2,
  )
  def gather_kernel(table, idx3, out, row_v, idx_v, out_v, row_sem,
                    idx_sem0, idx_sem1, out_sem0, out_sem1):
    idx_sem = (idx_sem0, idx_sem1)
    out_sem = (out_sem0, out_sem1)
    wid = lax.axis_index("s") * NUM_CORES + lax.axis_index("c")
    first_pair = wid * pairs_per_worker

    def tree_cls(pair):
      return pair // n_classes, pair % n_classes

    tree0, _ = tree_cls(first_pair)
    for i in range(2):
      pltpu.async_copy(idx3.at[tree0, pl.ds(i * IDX_HALF, IDX_HALF)],
                       idx_v.at[i], idx_sem[i])

    @pl.loop(0, pairs_per_worker)
    def _pair(p):
      pair = first_pair + p
      tree, cls = tree_cls(pair)
      pltpu.async_copy(table.at[tree, cls], row_v, row_sem).wait()

      reloaded = jnp.logical_or(p == 0, cls == 0)
      for i in range(2):
        @pl.when(reloaded)
        def _():
          pltpu.make_async_copy(
              idx3.at[tree, pl.ds(i * IDX_HALF, IDX_HALF)],
              idx_v.at[i], idx_sem[i]).wait()
        for c in range(2):
          boff = i * IDX_HALF + c * OUT_CHUNK
          if i == 0:
            @pl.when(p != 0)
            def _():
              pltpu.make_async_copy(
                  out_v.at[c], out.at[tree, cls, pl.ds(0, OUT_CHUNK)],
                  out_sem[c]).wait()
          else:
            pltpu.make_async_copy(
                out_v.at[c], out.at[tree, cls, pl.ds(0, OUT_CHUNK)],
                out_sem[c]).wait()

          @plsc.parallel_loop(0, OUT_CHUNK // LANES, unroll=8)
          def _vec(k):
            sl = pl.ds(k * LANES, LANES)
            isl = pl.ds(c * OUT_CHUNK + k * LANES, LANES)
            out_v[c, sl] = plsc.load_gather(row_v, [idx_v[i, isl]])

          pltpu.async_copy(out_v.at[c], out.at[tree, cls, pl.ds(boff, OUT_CHUNK)],
                           out_sem[c])

        @pl.when(jnp.logical_and(p != pairs_per_worker - 1,
                                 cls == n_classes - 1))
        def _():
          ntree, _ = tree_cls(pair + 1)
          pltpu.async_copy(idx3.at[ntree, pl.ds(i * IDX_HALF, IDX_HALF)],
                           idx_v.at[i], idx_sem[i])

    for c in range(2):
      pltpu.make_async_copy(
          out_v.at[c], out.at[0, 0, pl.ds(0, OUT_CHUNK)], out_sem[c]).wait()

  return gather_kernel


def kernel(leafs, idx):
  n_trees, n_leaves, n_classes = leafs.shape
  batch = idx.shape[1]
  table = jnp.swapaxes(leafs, 1, 2)
  idx3 = idx.astype(jnp.int32)
  out = _make_gather(n_trees, n_leaves, batch, n_classes)(table, idx3)
  return jnp.swapaxes(out, 1, 2)

# --- scband reference (transcript-rebuilt; emitter-appended) ---
"""Pipeline reference for scband-ncrandom-forest-classifier-53695681134799 (READ-ONLY COPY).

The authoritative reference and input builder live on the scoring server;
editing this copy changes nothing except your own understanding.
"""

import jax, jax.numpy as jnp
import numpy as np

N_TREES = 26
N_LEAVES = 100000
N_CLASSES = 16
BATCH = 16384

def setup_inputs(seed: int = 0) -> dict:
    key = jax.random.key(seed)
    k1, k2 = jax.random.split(key)
    # leaf value tables: one [n_leaves, n_classes] table per tree, normalized to
    # probability-like rows (mirrors tree.tree_.value / value.sum())
    leafs = jax.random.normal(k1, (N_TREES, N_LEAVES, N_CLASSES), dtype=jnp.float32)
    leafs = jax.nn.softmax(leafs, axis=-1)
    # leaf indices per tree per sample (mirrors h.apply(x) output)
    idx = jax.random.randint(k2, (N_TREES, BATCH), 0, N_LEAVES, dtype=jnp.int64)
    return {"leafs": leafs, "idx": idx}

def reference(leafs, idx):
    # forward: for each tree i, pred_i = leafs[i][idx_i, :]; stack over trees
    # -> batched embedding gather, output [n_trees, batch, n_classes]
    pred = jnp.take_along_axis(leafs, idx[:, :, None], axis=1)
    return pred

if __name__ == "__main__":
    import jax
    _d = setup_inputs()
    print(jax.jit(kernel)(*tuple(_d.values())))

</pallas_src>

<mosaic_0001>
#map = affine_map<(d0, d1) -> (0, 0, 0)>
#map1 = affine_map<(d0, d1) -> (0, 0)>
module attributes {stable_mosaic.version = 14 : i64} {
  func.func @gather_kernel(%arg0: i32, %arg1: i32, %arg2: memref<26x16x100000xf32, #tpu.memory_space<hbm>>, %arg3: memref<26x16384xi32, #tpu.memory_space<hbm>>, %arg4: memref<26x16x16384xf32, #tpu.memory_space<hbm>>, %arg5: memref<100000xf32, #tpu.memory_space<vmem>>, %arg6: memref<2x8192xi32, #tpu.memory_space<vmem>>, %arg7: memref<2x4096xf32, #tpu.memory_space<vmem>>, %arg8: memref<!tpu.dma_semaphore, #tpu.memory_space<semaphore_mem>>, %arg9: memref<!tpu.dma_semaphore, #tpu.memory_space<semaphore_mem>>, %arg10: memref<!tpu.dma_semaphore, #tpu.memory_space<semaphore_mem>>, %arg11: memref<!tpu.dma_semaphore, #tpu.memory_space<semaphore_mem>>, %arg12: memref<!tpu.dma_semaphore, #tpu.memory_space<semaphore_mem>>) attributes {dimension_semantics = [#tpu.dimension_semantics<core_parallel>, #tpu.dimension_semantics<subcore_parallel>], iteration_bounds = array<i64: 2, 16>, scalar_prefetch = 0 : i64, scratch_operands = 8 : i64, tpu.core_type = #tpu.core_type<sc_vector_subcore>, window_params = [{transform_indices = #map}, {transform_indices = #map1}, {transform_indices = #map}]} {
    %mul3A = arith.constant 2 : i32
    %mul3A_0 = arith.muli %arg1, %mul3A : i32
    %add3A = arith.addi %mul3A_0, %arg0 : i32
    %mul3A_1 = arith.constant 13 : i32
    %mul3A_2 = arith.muli %add3A, %mul3A_1 : i32
    %jit3A = arith.constant 16 : i32
    %div3A = arith.divsi %mul3A_2, %jit3A : i32
    %sign3A = arith.constant 0 : i32
    %sign3A_3 = arith.cmpi sgt, %mul3A_2, %sign3A : i32
    %sign3A_4 = arith.extui %sign3A_3 : i1 to i32
    %sign3A_5 = arith.constant 0 : i32
    %sign3A_6 = arith.cmpi slt, %mul3A_2, %sign3A_5 : i32
    %sign3A_7 = arith.extui %sign3A_6 : i1 to i32
    %sign3A_8 = arith.subi %sign3A_4, %sign3A_7 : i32
    %sign3A_9 = arith.constant 0 : i32
    %sign3A_10 = arith.cmpi sgt, %jit3A, %sign3A_9 : i32
    %sign3A_11 = arith.extui %sign3A_10 : i1 to i32
    %sign3A_12 = arith.constant 0 : i32
    %sign3A_13 = arith.cmpi slt, %jit3A, %sign3A_12 : i32
    %sign3A_14 = arith.extui %sign3A_13 : i1 to i32
    %sign3A_15 = arith.subi %sign3A_11, %sign3A_14 : i32
    %ne3A = arith.cmpi ne, %sign3A_8, %sign3A_15 : i32
    %rem3A = arith.remsi %mul3A_2, %jit3A : i32
    %ne3A_16 = arith.constant 0 : i32
    %ne3A_17 = arith.cmpi ne, %rem3A, %ne3A_16 : i32
    %and3A = arith.andi %ne3A, %ne3A_17 : i1
    %sub3A = arith.constant 1 : i32
    %sub3A_18 = arith.subi %div3A, %sub3A : i32
    %select_n3A = arith.select %and3A, %sub3A_18, %div3A : i32
    %jit3A_19 = arith.constant 16 : i32
    %eq3A = arith.constant 0 : i32
    %eq3A_20 = arith.cmpi eq, %jit3A_19, %eq3A : i32
    %jit3A_21 = arith.constant 1 : i32
    %select_n3A_22 = arith.select %eq3A_20, %jit3A_21, %jit3A_19 : i32
    %rem3A_23 = arith.remsi %mul3A_2, %select_n3A_22 : i32
    %ne3A_24 = arith.constant 0 : i32
    %ne3A_25 = arith.cmpi ne, %rem3A_23, %ne3A_24 : i32
    %lt3A = arith.constant 0 : i32
    %lt3A_26 = arith.cmpi slt, %rem3A_23, %lt3A : i32
    %lt3A_27 = arith.constant 0 : i32
    %lt3A_28 = arith.cmpi slt, %select_n3A_22, %lt3A_27 : i32
    %ne3A_29 = arith.xori %lt3A_26, %lt3A_28 : i1
    %and3A_30 = arith.andi %ne3A_29, %ne3A_25 : i1
    %add3A_31 = arith.addi %rem3A_23, %select_n3A_22 : i32
    %select_n3A_32 = arith.select %and3A_30, %add3A_31, %rem3A_23 : i32
    %dma_start3A = arith.constant 0 : i32
    %dma_start3A_33 = arith.constant 0 : i32
    %dma_start3A_34 = tpu.memref_slice %arg6[%dma_start3A, %dma_start3A_33] : memref<2x8192xi32, #tpu.memory_space<vmem>> -> memref<1x8192xi32, #tpu.memory_space<vmem>>
    %dma_start3A_35 = tpu.memref_squeeze %dma_start3A_34 : memref<1x8192xi32, #tpu.memory_space<vmem>> -> memref<8192xi32, #tpu.memory_space<vmem>>
    %dma_start3A_36 = arith.constant 0 : i32
    %dma_start3A_37 = tpu.memref_slice %arg3[%select_n3A, %dma_start3A_36] : memref<26x16384xi32, #tpu.memory_space<hbm>> -> memref<1x8192xi32, #tpu.memory_space<hbm>>
    %dma_start3A_38 = tpu.memref_squeeze %dma_start3A_37 : memref<1x8192xi32, #tpu.memory_space<hbm>> -> memref<8192xi32, #tpu.memory_space<hbm>>
    %dma_start3A_39 = arith.constant 0 : i32
    %dma_start3A_40 = tpu.memref_slice %arg6[%dma_start3A, %dma_start3A_39] : memref<2x8192xi32, #tpu.memory_space<vmem>> -> memref<1x8192xi32, #tpu.memory_space<vmem>>
    %dma_start3A_41 = tpu.memref_squeeze %dma_start3A_40 : memref<1x8192xi32, #tpu.memory_space<vmem>> -> memref<8192xi32, #tpu.memory_space<vmem>>
    %dma_start3A_42 = arith.constant 0 : i32
    %dma_start3A_43 = tpu.memref_slice %arg3[%select_n3A, %dma_start3A_42] : memref<26x16384xi32, #tpu.memory_space<hbm>> -> memref<1x8192xi32, #tpu.memory_space<hbm>>
    %dma_start3A_44 = tpu.memref_squeeze %dma_start3A_43 : memref<1x8192xi32, #tpu.memory_space<hbm>> -> memref<8192xi32, #tpu.memory_space<hbm>>
    tpu.enqueue_dma source(%dma_start3A_44 : memref<8192xi32, #tpu.memory_space<hbm>>) target(%dma_start3A_41 : memref<8192xi32, #tpu.memory_space<vmem>>) target_semaphore(%arg9 : memref<!tpu.dma_semaphore, #tpu.memory_space<semaphore_mem>>)
    %dma_start3A_45 = arith.constant 1 : i32
    %dma_start3A_46 = arith.constant 0 : i32
    %dma_start3A_47 = tpu.memref_slice %arg6[%dma_start3A_45, %dma_start3A_46] : memref<2x8192xi32, #tpu.memory_space<vmem>> -> memref<1x8192xi32, #tpu.memory_space<vmem>>
    %dma_start3A_48 = tpu.memref_squeeze %dma_start3A_47 : memref<1x8192xi32, #tpu.memory_space<vmem>> -> memref<8192xi32, #tpu.memory_space<vmem>>
    %dma_start3A_49 = arith.constant 8192 : i32
    %dma_start3A_50 = tpu.memref_slice %arg3[%select_n3A, %dma_start3A_49] : memref<26x16384xi32, #tpu.memory_space<hbm>> -> memref<1x8192xi32, #tpu.memory_space<hbm>>
    %dma_start3A_51 = tpu.memref_squeeze %dma_start3A_50 : memref<1x8192xi32, #tpu.memory_space<hbm>> -> memref<8192xi32, #tpu.memory_space<hbm>>
    %dma_start3A_52 = arith.constant 0 : i32
    %dma_start3A_53 = tpu.memref_slice %arg6[%dma_start3A_45, %dma_start3A_52] : memref<2x8192xi32, #tpu.memory_space<vmem>> -> memref<1x8192xi32, #tpu.memory_space<vmem>>
    %dma_start3A_54 = tpu.memref_squeeze %dma_start3A_53 : memref<1x8192xi32, #tpu.memory_space<vmem>> -> memref<8192xi32, #tpu.memory_space<vmem>>
    %dma_start3A_55 = arith.constant 8192 : i32
    %dma_start3A_56 = tpu.memref_slice %arg3[%select_n3A, %dma_start3A_55] : memref<26x16384xi32, #tpu.memory_space<hbm>> -> memref<1x8192xi32, #tpu.memory_space<hbm>>
    %dma_start3A_57 = tpu.memref_squeeze %dma_start3A_56 : memref<1x8192xi32, #tpu.memory_space<hbm>> -> memref<8192xi32, #tpu.memory_space<hbm>>
    tpu.enqueue_dma source(%dma_start3A_57 : memref<8192xi32, #tpu.memory_space<hbm>>) target(%dma_start3A_54 : memref<8192xi32, #tpu.memory_space<vmem>>) target_semaphore(%arg10 : memref<!tpu.dma_semaphore, #tpu.memory_space<semaphore_mem>>)
    %scan3A = arith.constant 0 : i32
    %scan3A_58 = arith.constant 13 : i32
    %scan3A_59 = arith.addi %scan3A, %scan3A_58 : i32
    %scan3A_60 = arith.constant 1 : i32
    scf.for %scan3A_91 = %scan3A to %scan3A_59 step %scan3A_60  : i32 {
      %mul3A_92 = arith.constant 1 : i32
      %mul3A_93 = arith.muli %scan3A_91, %mul3A_92 : i32
      %add3A_94 = arith.constant 0 : i32
      %add3A_95 = arith.addi %add3A_94, %mul3A_93 : i32
      %add3A_96 = arith.addi %mul3A_2, %add3A_95 : i32
      %jit3A_97 = arith.constant 16 : i32
      %div3A_98 = arith.divsi %add3A_96, %jit3A_97 : i32
      %sign3A_99 = arith.constant 0 : i32
      %sign3A_100 = arith.cmpi sgt, %add3A_96, %sign3A_99 : i32
      %sign3A_101 = arith.extui %sign3A_100 : i1 to i32
      %sign3A_102 = arith.constant 0 : i32
      %sign3A_103 = arith.cmpi slt, %add3A_96, %sign3A_102 : i32
      %sign3A_104 = arith.extui %sign3A_103 : i1 to i32
      %sign3A_105 = arith.subi %sign3A_101, %sign3A_104 : i32
      %sign3A_106 = arith.constant 0 : i32
      %sign3A_107 = arith.cmpi sgt, %jit3A_97, %sign3A_106 : i32
      %sign3A_108 = arith.extui %sign3A_107 : i1 to i32
      %sign3A_109 = arith.constant 0 : i32
      %sign3A_110 = arith.cmpi slt, %jit3A_97, %sign3A_109 : i32
      %sign3A_111 = arith.extui %sign3A_110 : i1 to i32
      %sign3A_112 = arith.subi %sign3A_108, %sign3A_111 : i32
      %ne3A_113 = arith.cmpi ne, %sign3A_105, %sign3A_112 : i32
      %rem3A_114 = arith.remsi %add3A_96, %jit3A_97 : i32
      %ne3A_115 = arith.constant 0 : i32
      %ne3A_116 = arith.cmpi ne, %rem3A_114, %ne3A_115 : i32
      %and3A_117 = arith.andi %ne3A_113, %ne3A_116 : i1
      %sub3A_118 = arith.constant 1 : i32
      %sub3A_119 = arith.subi %div3A_98, %sub3A_118 : i32
      %select_n3A_120 = arith.select %and3A_117, %sub3A_119, %div3A_98 : i32
      %jit3A_121 = arith.constant 16 : i32
      %eq3A_122 = arith.constant 0 : i32
      %eq3A_123 = arith.cmpi eq, %jit3A_121, %eq3A_122 : i32
      %jit3A_124 = arith.constant 1 : i32
      %select_n3A_125 = arith.select %eq3A_123, %jit3A_124, %jit3A_121 : i32
      %rem3A_126 = arith.remsi %add3A_96, %select_n3A_125 : i32
      %ne3A_127 = arith.constant 0 : i32
      %ne3A_128 = arith.cmpi ne, %rem3A_126, %ne3A_127 : i32
      %lt3A_129 = arith.constant 0 : i32
      %lt3A_130 = arith.cmpi slt, %rem3A_126, %lt3A_129 : i32
      %lt3A_131 = arith.constant 0 : i32
      %lt3A_132 = arith.cmpi slt, %select_n3A_125, %lt3A_131 : i32
      %ne3A_133 = arith.xori %lt3A_130, %lt3A_132 : i1
      %and3A_134 = arith.andi %ne3A_133, %ne3A_128 : i1
      %add3A_135 = arith.addi %rem3A_126, %select_n3A_125 : i32
      %select_n3A_136 = arith.select %and3A_134, %add3A_135, %rem3A_126 : i32
      %dma_start3A_137 = arith.constant 0 : i32
      %dma_start3A_138 = tpu.memref_slice %arg2[%select_n3A_120, %select_n3A_136, %dma_start3A_137] : memref<26x16x100000xf32, #tpu.memory_space<hbm>> -> memref<1x1x100000xf32, #tpu.memory_space<hbm>>
      %dma_start3A_139 = tpu.memref_squeeze %dma_start3A_138 : memref<1x1x100000xf32, #tpu.memory_space<hbm>> -> memref<100000xf32, #tpu.memory_space<hbm>>
      %dma_start3A_140 = arith.constant 0 : i32
      %dma_start3A_141 = tpu.memref_slice %arg2[%select_n3A_120, %select_n3A_136, %dma_start3A_140] : memref<26x16x100000xf32, #tpu.memory_space<hbm>> -> memref<1x1x100000xf32, #tpu.memory_space<hbm>>
      %dma_start3A_142 = tpu.memref_squeeze %dma_start3A_141 : memref<1x1x100000xf32, #tpu.memory_space<hbm>> -> memref<100000xf32, #tpu.memory_space<hbm>>
      tpu.enqueue_dma source(%dma_start3A_142 : memref<100000xf32, #tpu.memory_space<hbm>>) target(%arg5 : memref<100000xf32, #tpu.memory_space<vmem>>) target_semaphore(%arg8 : memref<!tpu.dma_semaphore, #tpu.memory_space<semaphore_mem>>)
      %dma_wait3A_143 = arith.constant 0 : i32
      %dma_wait3A_144 = tpu.memref_slice %arg2[%select_n3A_120, %select_n3A_136, %dma_wait3A_143] : memref<26x16x100000xf32, #tpu.memory_space<hbm>> -> memref<1x1x100000xf32, #tpu.memory_space<hbm>>
      %dma_wait3A_145 = tpu.memref_squeeze %dma_wait3A_144 : memref<1x1x100000xf32, #tpu.memory_space<hbm>> -> memref<100000xf32, #tpu.memory_space<hbm>>
      %dma_wait3A_146 = arith.constant 0 : i32
      %dma_wait3A_147 = tpu.memref_slice %arg2[%select_n3A_120, %select_n3A_136, %dma_wait3A_146] : memref<26x16x100000xf32, #tpu.memory_space<hbm>> -> memref<1x1x100000xf32, #tpu.memory_space<hbm>>
      %dma_wait3A_148 = tpu.memref_squeeze %dma_wait3A_147 : memref<1x1x100000xf32, #tpu.memory_space<hbm>> -> memref<100000xf32, #tpu.memory_space<hbm>>
      tpu.wait_dma2 semaphore(%arg8 : memref<!tpu.dma_semaphore, #tpu.memory_space<semaphore_mem>>) src(%dma_wait3A_148 : memref<100000xf32, #tpu.memory_space<hbm>>) dst(%arg5 : memref<100000xf32, #tpu.memory_space<vmem>>)
      %eq3A_149 = arith.constant 0 : i32
      %eq3A_150 = arith.cmpi eq, %add3A_95, %eq3A_149 : i32
      %eq3A_151 = arith.constant 0 : i32
      %eq3A_152 = arith.cmpi eq, %select_n3A_136, %eq3A_151 : i32
      %or3A = arith.ori %eq3A_150, %eq3A_152 : i1
      %convert_element_type3A = arith.extui %or3A : i1 to i32
      %cond3A = arith.constant 0 : i32
      %cond3A_153 = arith.cmpi ne, %convert_element_type3A, %cond3A : i32
      scf.if %cond3A_153 {
        %dma_wait3A_272 = arith.constant 0 : i32
        %dma_wait3A_273 = arith.constant 0 : i32
        %dma_wait3A_274 = tpu.memref_slice %arg6[%dma_wait3A_272, %dma_wait3A_273] : memref<2x8192xi32, #tpu.memory_space<vmem>> -> memref<1x8192xi32, #tpu.memory_space<vmem>>
        %dma_wait3A_275 = tpu.memref_squeeze %dma_wait3A_274 : memref<1x8192xi32, #tpu.memory_space<vmem>> -> memref<8192xi32, #tpu.memory_space<vmem>>
        %dma_wait3A_276 = arith.constant 0 : i32
        %dma_wait3A_277 = tpu.memref_slice %arg3[%select_n3A_120, %dma_wait3A_276] : memref<26x16384xi32, #tpu.memory_space<hbm>> -> memref<1x8192xi32, #tpu.memory_space<hbm>>
        %dma_wait3A_278 = tpu.memref_squeeze %dma_wait3A_277 : memref<1x8192xi32, #tpu.memory_space<hbm>> -> memref<8192xi32, #tpu.memory_space<hbm>>
        %dma_wait3A_279 = arith.constant 0 : i32
        %dma_wait3A_280 = tpu.memref_slice %arg6[%dma_wait3A_272, %dma_wait3A_279] : memref<2x8192xi32, #tpu.memory_space<vmem>> -> memref<1x8192xi32, #tpu.memory_space<vmem>>
        %dma_wait3A_281 = tpu.memref_squeeze %dma_wait3A_280 : memref<1x8192xi32, #tpu.memory_space<vmem>> -> memref<8192xi32, #tpu.memory_space<vmem>>
        %dma_wait3A_282 = arith.constant 0 : i32
        %dma_wait3A_283 = tpu.memref_slice %arg3[%select_n3A_120, %dma_wait3A_282] : memref<26x16384xi32, #tpu.memory_space<hbm>> -> memref<1x8192xi32, #tpu.memory_space<hbm>>
        %dma_wait3A_284 = tpu.memref_squeeze %dma_wait3A_283 : memref<1x8192xi32, #tpu.memory_space<hbm>> -> memref<8192xi32, #tpu.memory_space<hbm>>
        tpu.wait_dma2 semaphore(%arg9 : memref<!tpu.dma_semaphore, #tpu.memory_space<semaphore_mem>>) src(%dma_wait3A_284 : memref<8192xi32, #tpu.memory_space<hbm>>) dst(%dma_wait3A_281 : memref<8192xi32, #tpu.memory_space<vmem>>)
      } else {
      }
      %ne3A_154 = arith.constant 0 : i32
      %ne3A_155 = arith.cmpi ne, %add3A_95, %ne3A_154 : i32
      %convert_element_type3A_156 = arith.extui %ne3A_155 : i1 to i32
      %cond3A_157 = arith.constant 0 : i32
      %cond3A_158 = arith.cmpi ne, %convert_element_type3A_156, %cond3A_157 : i32
      scf.if %cond3A_158 {
        %dma_wait3A_272 = arith.constant 0 : i32
        %dma_wait3A_273 = arith.constant 0 : i32
        %dma_wait3A_274 = tpu.memref_slice %arg7[%dma_wait3A_272, %dma_wait3A_273] : memref<2x4096xf32, #tpu.memory_space<vmem>> -> memref<1x4096xf32, #tpu.memory_space<vmem>>
        %dma_wait3A_275 = tpu.memref_squeeze %dma_wait3A_274 : memref<1x4096xf32, #tpu.memory_space<vmem>> -> memref<4096xf32, #tpu.memory_space<vmem>>
        %dma_wait3A_276 = arith.constant 0 : i32
        %dma_wait3A_277 = tpu.memref_slice %arg4[%select_n3A_120, %select_n3A_136, %dma_wait3A_276] : memref<26x16x16384xf32, #tpu.memory_space<hbm>> -> memref<1x1x4096xf32, #tpu.memory_space<hbm>>
        %dma_wait3A_278 = tpu.memref_squeeze %dma_wait3A_277 : memref<1x1x4096xf32, #tpu.memory_space<hbm>> -> memref<4096xf32, #tpu.memory_space<hbm>>
        %dma_wait3A_279 = arith.constant 0 : i32
        %dma_wait3A_280 = tpu.memref_slice %arg4[%select_n3A_120, %select_n3A_136, %dma_wait3A_279] : memref<26x16x16384xf32, #tpu.memory_space<hbm>> -> memref<1x1x4096xf32, #tpu.memory_space<hbm>>
        %dma_wait3A_281 = tpu.memref_squeeze %dma_wait3A_280 : memref<1x1x4096xf32, #tpu.memory_space<hbm>> -> memref<4096xf32, #tpu.memory_space<hbm>>
        %dma_wait3A_282 = arith.constant 0 : i32
        %dma_wait3A_283 = tpu.memref_slice %arg7[%dma_wait3A_272, %dma_wait3A_282] : memref<2x4096xf32, #tpu.memory_space<vmem>> -> memref<1x4096xf32, #tpu.memory_space<vmem>>
        %dma_wait3A_284 = tpu.memref_squeeze %dma_wait3A_283 : memref<1x4096xf32, #tpu.memory_space<vmem>> -> memref<4096xf32, #tpu.memory_space<vmem>>
        tpu.wait_dma2 semaphore(%arg11 : memref<!tpu.dma_semaphore, #tpu.memory_space<semaphore_mem>>) src(%dma_wait3A_284 : memref<4096xf32, #tpu.memory_space<vmem>>) dst(%dma_wait3A_281 : memref<4096xf32, #tpu.memory_space<hbm>>)
      } else {
      }
      %parallel_loop3A = arith.constant 0 : i32
      %parallel_loop3A_159 = arith.constant 256 : i32
      %parallel_loop3A_160 = arith.constant 1 : i32
      scf.for %parallel_loop3A_272 = %parallel_loop3A to %parallel_loop3A_159 step %parallel_loop3A_160  : i32 {
        %parallel_loop3A_273 = arith.constant 16 : i32
        %parallel_loop3A_274 = arith.muli %parallel_loop3A_272, %parallel_loop3A_273 : i32
        %parallel_loop3A_275 = arith.constant 16 : i32
        %parallel_loop3A_276 = arith.muli %parallel_loop3A_272, %parallel_loop3A_275 : i32
        %parallel_loop3A_277 = arith.constant 0 : i32
        %parallel_loop3A_278 = arith.addi %parallel_loop3A_277, %parallel_loop3A_276 : i32
        %parallel_loop3A_279 = arith.constant 0 : i32
        %parallel_loop3A_280 = arith.index_cast %parallel_loop3A_279 : i32 to index
        %parallel_loop3A_281 = arith.index_cast %parallel_loop3A_278 : i32 to index
        %parallel_loop3A_282 = tpu.vector_load %arg6[%parallel_loop3A_280, %parallel_loop3A_281] {strides = array<i32>} : memref<2x8192xi32, #tpu.memory_space<vmem>>, vector<16xi32>,
        %parallel_loop3A_283 = tpu.vector_load_idx %arg5[%parallel_loop3A_282] : memref<100000xf32, #tpu.memory_space<vmem>>[vector<16xi32>], vector<16xf32>,
        %parallel_loop3A_284 = arith.constant 0 : i32
        %parallel_loop3A_285 = arith.index_cast %parallel_loop3A_284 : i32 to index
        %parallel_loop3A_286 = arith.index_cast %parallel_loop3A_274 : i32 to index
        %parallel_loop3A_287 = tpu.vector_load %arg7[%parallel_loop3A_285, %parallel_loop3A_286] {strides = array<i32>} : memref<2x4096xf32, #tpu.memory_space<vmem>>, vector<16xf32>,
        tpu.vector_store %arg7[%parallel_loop3A_285, %parallel_loop3A_286], %parallel_loop3A_283 {strides = array<i32>} : memref<2x4096xf32, #tpu.memory_space<vmem>>, vector<16xf32>,
      } {sc.loop_unroll_factor = 8 : i64, sc.parallel_access}
      %dma_start3A_161 = arith.constant 0 : i32
      %dma_start3A_162 = arith.constant 0 : i32
      %dma_start3A_163 = tpu.memref_slice %arg7[%dma_start3A_161, %dma_start3A_162] : memref<2x4096xf32, #tpu.memory_space<vmem>> -> memref<1x4096xf32, #tpu.memory_space<vmem>>
      %dma_start3A_164 = tpu.memref_squeeze %dma_start3A_163 : memref<1x4096xf32, #tpu.memory_space<vmem>> -> memref<4096xf32, #tpu.memory_space<vmem>>
      %dma_start3A_165 = arith.constant 0 : i32
      %dma_start3A_166 = tpu.memref_slice %arg4[%select_n3A_120, %select_n3A_136, %dma_start3A_165] : memref<26x16x16384xf32, #tpu.memory_space<hbm>> -> memref<1x1x4096xf32, #tpu.memory_space<hbm>>
      %dma_start3A_167 = tpu.memref_squeeze %dma_start3A_166 : memref<1x1x4096xf32, #tpu.memory_space<hbm>> -> memref<4096xf32, #tpu.memory_space<hbm>>
      %dma_start3A_168 = arith.constant 0 : i32
      %dma_start3A_169 = tpu.memref_slice %arg4[%select_n3A_120, %select_n3A_136, %dma_start3A_168] : memref<26x16x16384xf32, #tpu.memory_space<hbm>> -> memref<1x1x4096xf32, #tpu.memory_space<hbm>>
      %dma_start3A_170 = tpu.memref_squeeze %dma_start3A_169 : memref<1x1x4096xf32, #tpu.memory_space<hbm>> -> memref<4096xf32, #tpu.memory_space<hbm>>
      %dma_start3A_171 = arith.constant 0 : i32
      %dma_start3A_172 = tpu.memref_slice %arg7[%dma_start3A_161, %dma_start3A_171] : memref<2x4096xf32, #tpu.memory_space<vmem>> -> memref<1x4096xf32, #tpu.memory_space<vmem>>
      %dma_start3A_173 = tpu.memref_squeeze %dma_start3A_172 : memref<1x4096xf32, #tpu.memory_space<vmem>> -> memref<4096xf32, #tpu.memory_space<vmem>>
      tpu.enqueue_dma source(%dma_start3A_173 : memref<4096xf32, #tpu.memory_space<vmem>>) target(%dma_start3A_170 : memref<4096xf32, #tpu.memory_space<hbm>>) target_semaphore(%arg11 : memref<!tpu.dma_semaphore, #tpu.memory_space<semaphore_mem>>)
      %ne3A_174 = arith.constant 0 : i32
      %ne3A_175 = arith.cmpi ne, %add3A_95, %ne3A_174 : i32
      %convert_element_type3A_176 = arith.extui %ne3A_175 : i1 to i32
      %cond3A_177 = arith.constant 0 : i32
      %cond3A_178 = arith.cmpi ne, %convert_element_type3A_176, %cond3A_177 : i32
      scf.if %cond3A_178 {
        %dma_wait3A_272 = arith.constant 1 : i32
        %dma_wait3A_273 = arith.constant 0 : i32
        %dma_wait3A_274 = tpu.memref_slice %arg7[%dma_wait3A_272, %dma_wait3A_273] : memref<2x4096xf32, #tpu.memory_space<vmem>> -> memref<1x4096xf32, #tpu.memory_space<vmem>>
        %dma_wait3A_275 = tpu.memref_squeeze %dma_wait3A_274 : memref<1x4096xf32, #tpu.memory_space<vmem>> -> memref<4096xf32, #tpu.memory_space<vmem>>
        %dma_wait3A_276 = arith.constant 0 : i32
        %dma_wait3A_277 = tpu.memref_slice %arg4[%select_n3A_120, %select_n3A_136, %dma_wait3A_276] : memref<26x16x16384xf32, #tpu.memory_space<hbm>> -> memref<1x1x4096xf32, #tpu.memory_space<hbm>>
        %dma_wait3A_278 = tpu.memref_squeeze %dma_wait3A_277 : memref<1x1x4096xf32, #tpu.memory_space<hbm>> -> memref<4096xf32, #tpu.memory_space<hbm>>
        %dma_wait3A_279 = arith.constant 0 : i32
        %dma_wait3A_280 = tpu.memref_slice %arg4[%select_n3A_120, %select_n3A_136, %dma_wait3A_279] : memref<26x16x16384xf32, #tpu.memory_space<hbm>> -> memref<1x1x4096xf32, #tpu.memory_space<hbm>>
        %dma_wait3A_281 = tpu.memref_squeeze %dma_wait3A_280 : memref<1x1x4096xf32, #tpu.memory_space<hbm>> -> memref<4096xf32, #tpu.memory_space<hbm>>
        %dma_wait3A_282 = arith.constant 0 : i32
        %dma_wait3A_283 = tpu.memref_slice %arg7[%dma_wait3A_272, %dma_wait3A_282] : memref<2x4096xf32, #tpu.memory_space<vmem>> -> memref<1x4096xf32, #tpu.memory_space<vmem>>
        %dma_wait3A_284 = tpu.memref_squeeze %dma_wait3A_283 : memref<1x4096xf32, #tpu.memory_space<vmem>> -> memref<4096xf32, #tpu.memory_space<vmem>>
        tpu.wait_dma2 semaphore(%arg12 : memref<!tpu.dma_semaphore, #tpu.memory_space<semaphore_mem>>) src(%dma_wait3A_284 : memref<4096xf32, #tpu.memory_space<vmem>>) dst(%dma_wait3A_281 : memref<4096xf32, #tpu.memory_space<hbm>>)
      } else {
      }
      %parallel_loop3A_179 = arith.constant 0 : i32
      %parallel_loop3A_180 = arith.constant 256 : i32
      %parallel_loop3A_181 = arith.constant 1 : i32
      scf.for %parallel_loop3A_272 = %parallel_loop3A_179 to %parallel_loop3A_180 step %parallel_loop3A_181  : i32 {
        %parallel_loop3A_273 = arith.constant 16 : i32
        %parallel_loop3A_274 = arith.muli %parallel_loop3A_272, %parallel_loop3A_273 : i32
        %parallel_loop3A_275 = arith.constant 16 : i32
        %parallel_loop3A_276 = arith.muli %parallel_loop3A_272, %parallel_loop3A_275 : i32
        %parallel_loop3A_277 = arith.constant 4096 : i32
        %parallel_loop3A_278 = arith.addi %parallel_loop3A_277, %parallel_loop3A_276 : i32
        %parallel_loop3A_279 = arith.constant 0 : i32
        %parallel_loop3A_280 = arith.index_cast %parallel_loop3A_279 : i32 to index
        %parallel_loop3A_281 = arith.index_cast %parallel_loop3A_278 : i32 to index
        %parallel_loop3A_282 = tpu.vector_load %arg6[%parallel_loop3A_280, %parallel_loop3A_281] {strides = array<i32>} : memref<2x8192xi32, #tpu.memory_space<vmem>>, vector<16xi32>,
        %parallel_loop3A_283 = tpu.vector_load_idx %arg5[%parallel_loop3A_282] : memref<100000xf32, #tpu.memory_space<vmem>>[vector<16xi32>], vector<16xf32>,
        %parallel_loop3A_284 = arith.constant 1 : i32
        %parallel_loop3A_285 = arith.index_cast %parallel_loop3A_284 : i32 to index
        %parallel_loop3A_286 = arith.index_cast %parallel_loop3A_274 : i32 to index
        %parallel_loop3A_287 = tpu.vector_load %arg7[%parallel_loop3A_285, %parallel_loop3A_286] {strides = array<i32>} : memref<2x4096xf32, #tpu.memory_space<vmem>>, vector<16xf32>,
        tpu.vector_store %arg7[%parallel_loop3A_285, %parallel_loop3A_286], %parallel_loop3A_283 {strides = array<i32>} : memref<2x4096xf32, #tpu.memory_space<vmem>>, vector<16xf32>,
      } {sc.loop_unroll_factor = 8 : i64, sc.parallel_access}
      %dma_start3A_182 = arith.constant 1 : i32
      %dma_start3A_183 = arith.constant 0 : i32
      %dma_start3A_184 = tpu.memref_slice %arg7[%dma_start3A_182, %dma_start3A_183] : memref<2x4096xf32, #tpu.memory_space<vmem>> -> memref<1x4096xf32, #tpu.memory_space<vmem>>
      %dma_start3A_185 = tpu.memref_squeeze %dma_start3A_184 : memref<1x4096xf32, #tpu.memory_space<vmem>> -> memref<4096xf32, #tpu.memory_space<vmem>>
      %dma_start3A_186 = arith.constant 4096 : i32
      %dma_start3A_187 = tpu.memref_slice %arg4[%select_n3A_120, %select_n3A_136, %dma_start3A_186] : memref<26x16x16384xf32, #tpu.memory_space<hbm>> -> memref<1x1x4096xf32, #tpu.memory_space<hbm>>
      %dma_start3A_188 = tpu.memref_squeeze %dma_start3A_187 : memref<1x1x4096xf32, #tpu.memory_space<hbm>> -> memref<4096xf32, #tpu.memory_space<hbm>>
      %dma_start3A_189 = arith.constant 4096 : i32
      %dma_start3A_190 = tpu.memref_slice %arg4[%select_n3A_120, %select_n3A_136, %dma_start3A_189] : memref<26x16x16384xf32, #tpu.memory_space<hbm>> -> memref<1x1x4096xf32, #tpu.memory_space<hbm>>
      %dma_start3A_191 = tpu.memref_squeeze %dma_start3A_190 : memref<1x1x4096xf32, #tpu.memory_space<hbm>> -> memref<4096xf32, #tpu.memory_space<hbm>>
      %dma_start3A_192 = arith.constant 0 : i32
      %dma_start3A_193 = tpu.memref_slice %arg7[%dma_start3A_182, %dma_start3A_192] : memref<2x4096xf32, #tpu.memory_space<vmem>> -> memref<1x4096xf32, #tpu.memory_space<vmem>>
      %dma_start3A_194 = tpu.memref_squeeze %dma_start3A_193 : memref<1x4096xf32, #tpu.memory_space<vmem>> -> memref<4096xf32, #tpu.memory_space<vmem>>
      tpu.enqueue_dma source(%dma_start3A_194 : memref<4096xf32, #tpu.memory_space<vmem>>) target(%dma_start3A_191 : memref<4096xf32, #tpu.memory_space<hbm>>) target_semaphore(%arg12 : memref<!tpu.dma_semaphore, #tpu.memory_space<semaphore_mem>>)
      %ne3A_195 = arith.constant 12 : i32
      %ne3A_196 = arith.cmpi ne, %add3A_95, %ne3A_195 : i32
      %eq3A_197 = arith.constant 15 : i32
      %eq3A_198 = arith.cmpi eq, %select_n3A_136, %eq3A_197 : i32
      %and3A_199 = arith.andi %ne3A_196, %eq3A_198 : i1
      %convert_element_type3A_200 = arith.extui %and3A_199 : i1 to i32
      %cond3A_201 = arith.constant 0 : i32
      %cond3A_202 = arith.cmpi ne, %convert_element_type3A_200, %cond3A_201 : i32
      scf.if %cond3A_202 {
        %add3A_272 = arith.constant 1 : i32
        %add3A_273 = arith.addi %add3A_96, %add3A_272 : i32
        %jit3A_274 = arith.constant 16 : i32
        %div3A_275 = arith.divsi %add3A_273, %jit3A_274 : i32
        %sign3A_276 = arith.constant 0 : i32
        %sign3A_277 = arith.cmpi sgt, %add3A_273, %sign3A_276 : i32
        %sign3A_278 = arith.extui %sign3A_277 : i1 to i32
        %sign3A_279 = arith.constant 0 : i32
        %sign3A_280 = arith.cmpi slt, %add3A_273, %sign3A_279 : i32
        %sign3A_281 = arith.extui %sign3A_280 : i1 to i32
        %sign3A_282 = arith.subi %sign3A_278, %sign3A_281 : i32
        %sign3A_283 = arith.constant 0 : i32
        %sign3A_284 = arith.cmpi sgt, %jit3A_274, %sign3A_283 : i32
        %sign3A_285 = arith.extui %sign3A_284 : i1 to i32
        %sign3A_286 = arith.constant 0 : i32
        %sign3A_287 = arith.cmpi slt, %jit3A_274, %sign3A_286 : i32
        %sign3A_288 = arith.extui %sign3A_287 : i1 to i32
        %sign3A_289 = arith.subi %sign3A_285, %sign3A_288 : i32
        %ne3A_290 = arith.cmpi ne, %sign3A_282, %sign3A_289 : i32
        %rem3A_291 = arith.remsi %add3A_273, %jit3A_274 : i32
        %ne3A_292 = arith.constant 0 : i32
        %ne3A_293 = arith.cmpi ne, %rem3A_291, %ne3A_292 : i32
        %and3A_294 = arith.andi %ne3A_290, %ne3A_293 : i1
        %sub3A_295 = arith.constant 1 : i32
        %sub3A_296 = arith.subi %div3A_275, %sub3A_295 : i32
        %select_n3A_297 = arith.select %and3A_294, %sub3A_296, %div3A_275 : i32
        %jit3A_298 = arith.constant 16 : i32
        %eq3A_299 = arith.constant 0 : i32
        %eq3A_300 = arith.cmpi eq, %jit3A_298, %eq3A_299 : i32
        %jit3A_301 = arith.constant 1 : i32
        %select_n3A_302 = arith.select %eq3A_300, %jit3A_301, %jit3A_298 : i32
        %rem3A_303 = arith.remsi %add3A_273, %select_n3A_302 : i32
        %ne3A_304 = arith.constant 0 : i32
        %ne3A_305 = arith.cmpi ne, %rem3A_303, %ne3A_304 : i32
        %lt3A_306 = arith.constant 0 : i32
        %lt3A_307 = arith.cmpi slt, %rem3A_303, %lt3A_306 : i32
        %lt3A_308 = arith.constant 0 : i32
        %lt3A_309 = arith.cmpi slt, %select_n3A_302, %lt3A_308 : i32
        %ne3A_310 = arith.xori %lt3A_307, %lt3A_309 : i1
        %and3A_311 = arith.andi %ne3A_310, %ne3A_305 : i1
        %add3A_312 = arith.addi %rem3A_303, %select_n3A_302 : i32
        %select_n3A_313 = arith.select %and3A_311, %add3A_312, %rem3A_303 : i32
        %dma_start3A_314 = arith.constant 0 : i32
        %dma_start3A_315 = arith.constant 0 : i32
        %dma_start3A_316 = tpu.memref_slice %arg6[%dma_start3A_314, %dma_start3A_315] : memref<2x8192xi32, #tpu.memory_space<vmem>> -> memref<1x8192xi32, #tpu.memory_space<vmem>>
        %dma_start3A_317 = tpu.memref_squeeze %dma_start3A_316 : memref<1x8192xi32, #tpu.memory_space<vmem>> -> memref<8192xi32, #tpu.memory_space<vmem>>
        %dma_start3A_318 = arith.constant 0 : i32
        %dma_start3A_319 = tpu.memref_slice %arg3[%select_n3A_297, %dma_start3A_318] : memref<26x16384xi32, #tpu.memory_space<hbm>> -> memref<1x8192xi32, #tpu.memory_space<hbm>>
        %dma_start3A_320 = tpu.memref_squeeze %dma_start3A_319 : memref<1x8192xi32, #tpu.memory_space<hbm>> -> memref<8192xi32, #tpu.memory_space<hbm>>
        %dma_start3A_321 = arith.constant 0 : i32
        %dma_start3A_322 = tpu.memref_slice %arg6[%dma_start3A_314, %dma_start3A_321] : memref<2x8192xi32, #tpu.memory_space<vmem>> -> memref<1x8192xi32, #tpu.memory_space<vmem>>
        %dma_start3A_323 = tpu.memref_squeeze %dma_start3A_322 : memref<1x8192xi32, #tpu.memory_space<vmem>> -> memref<8192xi32, #tpu.memory_space<vmem>>
        %dma_start3A_324 = arith.constant 0 : i32
        %dma_start3A_325 = tpu.memref_slice %arg3[%select_n3A_297, %dma_start3A_324] : memref<26x16384xi32, #tpu.memory_space<hbm>> -> memref<1x8192xi32, #tpu.memory_space<hbm>>
        %dma_start3A_326 = tpu.memref_squeeze %dma_start3A_325 : memref<1x8192xi32, #tpu.memory_space<hbm>> -> memref<8192xi32, #tpu.memory_space<hbm>>
        tpu.enqueue_dma source(%dma_start3A_326 : memref<8192xi32, #tpu.memory_space<hbm>>) target(%dma_start3A_323 : memref<8192xi32, #tpu.memory_space<vmem>>) target_semaphore(%arg9 : memref<!tpu.dma_semaphore, #tpu.memory_space<semaphore_mem>>)
      } else {
      }
      %convert_element_type3A_203 = arith.extui %or3A : i1 to i32
      %cond3A_204 = arith.constant 0 : i32
      %cond3A_205 = arith.cmpi ne, %convert_element_type3A_203, %cond3A_204 : i32
      scf.if %cond3A_205 {
        %dma_wait3A_272 = arith.constant 1 : i32
        %dma_wait3A_273 = arith.constant 0 : i32
        %dma_wait3A_274 = tpu.memref_slice %arg6[%dma_wait3A_272, %dma_wait3A_273] : memref<2x8192xi32, #tpu.memory_space<vmem>> -> memref<1x8192xi32, #tpu.memory_space<vmem>>
        %dma_wait3A_275 = tpu.memref_squeeze %dma_wait3A_274 : memref<1x8192xi32, #tpu.memory_space<vmem>> -> memref<8192xi32, #tpu.memory_space<vmem>>
        %dma_wait3A_276 = arith.constant 8192 : i32
        %dma_wait3A_277 = tpu.memref_slice %arg3[%select_n3A_120, %dma_wait3A_276] : memref<26x16384xi32, #tpu.memory_space<hbm>> -> memref<1x8192xi32, #tpu.memory_space<hbm>>
        %dma_wait3A_278 = tpu.memref_squeeze %dma_wait3A_277 : memref<1x8192xi32, #tpu.memory_space<hbm>> -> memref<8192xi32, #tpu.memory_space<hbm>>
        %dma_wait3A_279 = arith.constant 0 : i32
        %dma_wait3A_280 = tpu.memref_slice %arg6[%dma_wait3A_272, %dma_wait3A_279] : memref<2x8192xi32, #tpu.memory_space<vmem>> -> memref<1x8192xi32, #tpu.memory_space<vmem>>
        %dma_wait3A_281 = tpu.memref_squeeze %dma_wait3A_280 : memref<1x8192xi32, #tpu.memory_space<vmem>> -> memref<8192xi32, #tpu.memory_space<vmem>>
        %dma_wait3A_282 = arith.constant 8192 : i32
        %dma_wait3A_283 = tpu.memref_slice %arg3[%select_n3A_120, %dma_wait3A_282] : memref<26x16384xi32, #tpu.memory_space<hbm>> -> memref<1x8192xi32, #tpu.memory_space<hbm>>
        %dma_wait3A_284 = tpu.memref_squeeze %dma_wait3A_283 : memref<1x8192xi32, #tpu.memory_space<hbm>> -> memref<8192xi32, #tpu.memory_space<hbm>>
        tpu.wait_dma2 semaphore(%arg10 : memref<!tpu.dma_semaphore, #tpu.memory_space<semaphore_mem>>) src(%dma_wait3A_284 : memref<8192xi32, #tpu.memory_space<hbm>>) dst(%dma_wait3A_281 : memref<8192xi32, #tpu.memory_space<vmem>>)
      } else {
      }
      %dma_wait3A_206 = arith.constant 0 : i32
      %dma_wait3A_207 = arith.constant 0 : i32
      %dma_wait3A_208 = tpu.memref_slice %arg7[%dma_wait3A_206, %dma_wait3A_207] : memref<2x4096xf32, #tpu.memory_space<vmem>> -> memref<1x4096xf32, #tpu.memory_space<vmem>>
      %dma_wait3A_209 = tpu.memref_squeeze %dma_wait3A_208 : memref<1x4096xf32, #tpu.memory_space<vmem>> -> memref<4096xf32, #tpu.memory_space<vmem>>
      %dma_wait3A_210 = arith.constant 0 : i32
      %dma_wait3A_211 = tpu.memref_slice %arg4[%select_n3A_120, %select_n3A_136, %dma_wait3A_210] : memref<26x16x16384xf32, #tpu.memory_space<hbm>> -> memref<1x1x4096xf32, #tpu.memory_space<hbm>>
      %dma_wait3A_212 = tpu.memref_squeeze %dma_wait3A_211 : memref<1x1x4096xf32, #tpu.memory_space<hbm>> -> memref<4096xf32, #tpu.memory_space<hbm>>
      %dma_wait3A_213 = arith.constant 0 : i32
      %dma_wait3A_214 = tpu.memref_slice %arg4[%select_n3A_120, %select_n3A_136, %dma_wait3A_213] : memref<26x16x16384xf32, #tpu.memory_space<hbm>> -> memref<1x1x4096xf32, #tpu.memory_space<hbm>>
      %dma_wait3A_215 = tpu.memref_squeeze %dma_wait3A_214 : memref<1x1x4096xf32, #tpu.memory_space<hbm>> -> memref<4096xf32, #tpu.memory_space<hbm>>
      %dma_wait3A_216 = arith.constant 0 : i32
      %dma_wait3A_217 = tpu.memref_slice %arg7[%dma_wait3A_206, %dma_wait3A_216] : memref<2x4096xf32, #tpu.memory_space<vmem>> -> memref<1x4096xf32, #tpu.memory_space<vmem>>
      %dma_wait3A_218 = tpu.memref_squeeze %dma_wait3A_217 : memref<1x4096xf32, #tpu.memory_space<vmem>> -> memref<4096xf32, #tpu.memory_space<vmem>>
      tpu.wait_dma2 semaphore(%arg11 : memref<!tpu.dma_semaphore, #tpu.memory_space<semaphore_mem>>) src(%dma_wait3A_218 : memref<4096xf32, #tpu.memory_space<vmem>>) dst(%dma_wait3A_215 : memref<4096xf32, #tpu.memory_space<hbm>>)
      %parallel_loop3A_219 = arith.constant 0 : i32
      %parallel_loop3A_220 = arith.constant 256 : i32
      %parallel_loop3A_221 = arith.constant 1 : i32
      scf.for %parallel_loop3A_272 = %parallel_loop3A_219 to %parallel_loop3A_220 step %parallel_loop3A_221  : i32 {
        %parallel_loop3A_273 = arith.constant 16 : i32
        %parallel_loop3A_274 = arith.muli %parallel_loop3A_272, %parallel_loop3A_273 : i32
        %parallel_loop3A_275 = arith.constant 16 : i32
        %parallel_loop3A_276 = arith.muli %parallel_loop3A_272, %parallel_loop3A_275 : i32
        %parallel_loop3A_277 = arith.constant 0 : i32
        %parallel_loop3A_278 = arith.addi %parallel_loop3A_277, %parallel_loop3A_276 : i32
        %parallel_loop3A_279 = arith.constant 1 : i32
        %parallel_loop3A_280 = arith.index_cast %parallel_loop3A_279 : i32 to index
        %parallel_loop3A_281 = arith.index_cast %parallel_loop3A_278 : i32 to index
        %parallel_loop3A_282 = tpu.vector_load %arg6[%parallel_loop3A_280, %parallel_loop3A_281] {strides = array<i32>} : memref<2x8192xi32, #tpu.memory_space<vmem>>, vector<16xi32>,
        %parallel_loop3A_283 = tpu.vector_load_idx %arg5[%parallel_loop3A_282] : memref<100000xf32, #tpu.memory_space<vmem>>[vector<16xi32>], vector<16xf32>,
        %parallel_loop3A_284 = arith.constant 0 : i32
        %parallel_loop3A_285 = arith.index_cast %parallel_loop3A_284 : i32 to index
        %parallel_loop3A_286 = arith.index_cast %parallel_loop3A_274 : i32 to index
        %parallel_loop3A_287 = tpu.vector_load %arg7[%parallel_loop3A_285, %parallel_loop3A_286] {strides = array<i32>} : memref<2x4096xf32, #tpu.memory_space<vmem>>, vector<16xf32>,
        tpu.vector_store %arg7[%parallel_loop3A_285, %parallel_loop3A_286], %parallel_loop3A_283 {strides = array<i32>} : memref<2x4096xf32, #tpu.memory_space<vmem>>, vector<16xf32>,
      } {sc.loop_unroll_factor = 8 : i64, sc.parallel_access}
      %dma_start3A_222 = arith.constant 0 : i32
      %dma_start3A_223 = arith.constant 0 : i32
      %dma_start3A_224 = tpu.memref_slice %arg7[%dma_start3A_222, %dma_start3A_223] : memref<2x4096xf32, #tpu.memory_space<vmem>> -> memref<1x4096xf32, #tpu.memory_space<vmem>>
      %dma_start3A_225 = tpu.memref_squeeze %dma_start3A_224 : memref<1x4096xf32, #tpu.memory_space<vmem>> -> memref<4096xf32, #tpu.memory_space<vmem>>
      %dma_start3A_226 = arith.constant 8192 : i32
      %dma_start3A_227 = tpu.memref_slice %arg4[%select_n3A_120, %select_n3A_136, %dma_start3A_226] : memref<26x16x16384xf32, #tpu.memory_space<hbm>> -> memref<1x1x4096xf32, #tpu.memory_space<hbm>>
      %dma_start3A_228 = tpu.memref_squeeze %dma_start3A_227 : memref<1x1x4096xf32, #tpu.memory_space<hbm>> -> memref<4096xf32, #tpu.memory_space<hbm>>
      %dma_start3A_229 = arith.constant 8192 : i32
      %dma_start3A_230 = tpu.memref_slice %arg4[%select_n3A_120, %select_n3A_136, %dma_start3A_229] : memref<26x16x16384xf32, #tpu.memory_space<hbm>> -> memref<1x1x4096xf32, #tpu.memory_space<hbm>>
      %dma_start3A_231 = tpu.memref_squeeze %dma_start3A_230 : memref<1x1x4096xf32, #tpu.memory_space<hbm>> -> memref<4096xf32, #tpu.memory_space<hbm>>
      %dma_start3A_232 = arith.constant 0 : i32
      %dma_start3A_233 = tpu.memref_slice %arg7[%dma_start3A_222, %dma_start3A_232] : memref<2x4096xf32, #tpu.memory_space<vmem>> -> memref<1x4096xf32, #tpu.memory_space<vmem>>
      %dma_start3A_234 = tpu.memref_squeeze %dma_start3A_233 : memref<1x4096xf32, #tpu.memory_space<vmem>> -> memref<4096xf32, #tpu.memory_space<vmem>>
      tpu.enqueue_dma source(%dma_start3A_234 : memref<4096xf32, #tpu.memory_space<vmem>>) target(%dma_start3A_231 : memref<4096xf32, #tpu.memory_space<hbm>>) target_semaphore(%arg11 : memref<!tpu.dma_semaphore, #tpu.memory_space<semaphore_mem>>)
      %dma_wait3A_235 = arith.constant 1 : i32
      %dma_wait3A_236 = arith.constant 0 : i32
      %dma_wait3A_237 = tpu.memref_slice %arg7[%dma_wait3A_235, %dma_wait3A_236] : memref<2x4096xf32, #tpu.memory_space<vmem>> -> memref<1x4096xf32, #tpu.memory_space<vmem>>
      %dma_wait3A_238 = tpu.memref_squeeze %dma_wait3A_237 : memref<1x4096xf32, #tpu.memory_space<vmem>> -> memref<4096xf32, #tpu.memory_space<vmem>>
      %dma_wait3A_239 = arith.constant 0 : i32
      %dma_wait3A_240 = tpu.memref_slice %arg4[%select_n3A_120, %select_n3A_136, %dma_wait3A_239] : memref<26x16x16384xf32, #tpu.memory_space<hbm>> -> memref<1x1x4096xf32, #tpu.memory_space<hbm>>
      %dma_wait3A_241 = tpu.memref_squeeze %dma_wait3A_240 : memref<1x1x4096xf32, #tpu.memory_space<hbm>> -> memref<4096xf32, #tpu.memory_space<hbm>>
      %dma_wait3A_242 = arith.constant 0 : i32
      %dma_wait3A_243 = tpu.memref_slice %arg4[%select_n3A_120, %select_n3A_136, %dma_wait3A_242] : memref<26x16x16384xf32, #tpu.memory_space<hbm>> -> memref<1x1x4096xf32, #tpu.memory_space<hbm>>
      %dma_wait3A_244 = tpu.memref_squeeze %dma_wait3A_243 : memref<1x1x4096xf32, #tpu.memory_space<hbm>> -> memref<4096xf32, #tpu.memory_space<hbm>>
      %dma_wait3A_245 = arith.constant 0 : i32
      %dma_wait3A_246 = tpu.memref_slice %arg7[%dma_wait3A_235, %dma_wait3A_245] : memref<2x4096xf32, #tpu.memory_space<vmem>> -> memref<1x4096xf32, #tpu.memory_space<vmem>>
      %dma_wait3A_247 = tpu.memref_squeeze %dma_wait3A_246 : memref<1x4096xf32, #tpu.memory_space<vmem>> -> memref<4096xf32, #tpu.memory_space<vmem>>
      tpu.wait_dma2 semaphore(%arg12 : memref<!tpu.dma_semaphore, #tpu.memory_space<semaphore_mem>>) src(%dma_wait3A_247 : memref<4096xf32, #tpu.memory_space<vmem>>) dst(%dma_wait3A_244 : memref<4096xf32, #tpu.memory_space<hbm>>)
      %parallel_loop3A_248 = arith.constant 0 : i32
      %parallel_loop3A_249 = arith.constant 256 : i32
      %parallel_loop3A_250 = arith.constant 1 : i32
      scf.for %parallel_loop3A_272 = %parallel_loop3A_248 to %parallel_loop3A_249 step %parallel_loop3A_250  : i32 {
        %parallel_loop3A_273 = arith.constant 16 : i32
        %parallel_loop3A_274 = arith.muli %parallel_loop3A_272, %parallel_loop3A_273 : i32
        %parallel_loop3A_275 = arith.constant 16 : i32
        %parallel_loop3A_276 = arith.muli %parallel_loop3A_272, %parallel_loop3A_275 : i32
        %parallel_loop3A_277 = arith.constant 4096 : i32
        %parallel_loop3A_278 = arith.addi %parallel_loop3A_277, %parallel_loop3A_276 : i32
        %parallel_loop3A_279 = arith.constant 1 : i32
        %parallel_loop3A_280 = arith.index_cast %parallel_loop3A_279 : i32 to index
        %parallel_loop3A_281 = arith.index_cast %parallel_loop3A_278 : i32 to index
        %parallel_loop3A_282 = tpu.vector_load %arg6[%parallel_loop3A_280, %parallel_loop3A_281] {strides = array<i32>} : memref<2x8192xi32, #tpu.memory_space<vmem>>, vector<16xi32>,
        %parallel_loop3A_283 = tpu.vector_load_idx %arg5[%parallel_loop3A_282] : memref<100000xf32, #tpu.memory_space<vmem>>[vector<16xi32>], vector<16xf32>,
        %parallel_loop3A_284 = arith.constant 1 : i32
        %parallel_loop3A_285 = arith.index_cast %parallel_loop3A_284 : i32 to index
        %parallel_loop3A_286 = arith.index_cast %parallel_loop3A_274 : i32 to index
        %parallel_loop3A_287 = tpu.vector_load %arg7[%parallel_loop3A_285, %parallel_loop3A_286] {strides = array<i32>} : memref<2x4096xf32, #tpu.memory_space<vmem>>, vector<16xf32>,
        tpu.vector_store %arg7[%parallel_loop3A_285, %parallel_loop3A_286], %parallel_loop3A_283 {strides = array<i32>} : memref<2x4096xf32, #tpu.memory_space<vmem>>, vector<16xf32>,
      } {sc.loop_unroll_factor = 8 : i64, sc.parallel_access}
      %dma_start3A_251 = arith.constant 1 : i32
      %dma_start3A_252 = arith.constant 0 : i32
      %dma_start3A_253 = tpu.memref_slice %arg7[%dma_start3A_251, %dma_start3A_252] : memref<2x4096xf32, #tpu.memory_space<vmem>> -> memref<1x4096xf32, #tpu.memory_space<vmem>>
      %dma_start3A_254 = tpu.memref_squeeze %dma_start3A_253 : memref<1x4096xf32, #tpu.memory_space<vmem>> -> memref<4096xf32, #tpu.memory_space<vmem>>
      %dma_start3A_255 = arith.constant 12288 : i32
      %dma_start3A_256 = tpu.memref_slice %arg4[%select_n3A_120, %select_n3A_136, %dma_start3A_255] : memref<26x16x16384xf32, #tpu.memory_space<hbm>> -> memref<1x1x4096xf32, #tpu.memory_space<hbm>>
      %dma_start3A_257 = tpu.memref_squeeze %dma_start3A_256 : memref<1x1x4096xf32, #tpu.memory_space<hbm>> -> memref<4096xf32, #tpu.memory_space<hbm>>
      %dma_start3A_258 = arith.constant 12288 : i32
      %dma_start3A_259 = tpu.memref_slice %arg4[%select_n3A_120, %select_n3A_136, %dma_start3A_258] : memref<26x16x16384xf32, #tpu.memory_space<hbm>> -> memref<1x1x4096xf32, #tpu.memory_space<hbm>>
      %dma_start3A_260 = tpu.memref_squeeze %dma_start3A_259 : memref<1x1x4096xf32, #tpu.memory_space<hbm>> -> memref<4096xf32, #tpu.memory_space<hbm>>
      %dma_start3A_261 = arith.constant 0 : i32
      %dma_start3A_262 = tpu.memref_slice %arg7[%dma_start3A_251, %dma_start3A_261] : memref<2x4096xf32, #tpu.memory_space<vmem>> -> memref<1x4096xf32, #tpu.memory_space<vmem>>
      %dma_start3A_263 = tpu.memref_squeeze %dma_start3A_262 : memref<1x4096xf32, #tpu.memory_space<vmem>> -> memref<4096xf32, #tpu.memory_space<vmem>>
      tpu.enqueue_dma source(%dma_start3A_263 : memref<4096xf32, #tpu.memory_space<vmem>>) target(%dma_start3A_260 : memref<4096xf32, #tpu.memory_space<hbm>>) target_semaphore(%arg12 : memref<!tpu.dma_semaphore, #tpu.memory_space<semaphore_mem>>)
      %ne3A_264 = arith.constant 12 : i32
      %ne3A_265 = arith.cmpi ne, %add3A_95, %ne3A_264 : i32
      %eq3A_266 = arith.constant 15 : i32
      %eq3A_267 = arith.cmpi eq, %select_n3A_136, %eq3A_266 : i32
      %and3A_268 = arith.andi %ne3A_265, %eq3A_267 : i1
      %convert_element_type3A_269 = arith.extui %and3A_268 : i1 to i32
      %cond3A_270 = arith.constant 0 : i32
      %cond3A_271 = arith.cmpi ne, %convert_element_type3A_269, %cond3A_270 : i32
      scf.if %cond3A_271 {
        %add3A_272 = arith.constant 1 : i32
        %add3A_273 = arith.addi %add3A_96, %add3A_272 : i32
        %jit3A_274 = arith.constant 16 : i32
        %div3A_275 = arith.divsi %add3A_273, %jit3A_274 : i32
        %sign3A_276 = arith.constant 0 : i32
        %sign3A_277 = arith.cmpi sgt, %add3A_273, %sign3A_276 : i32
        %sign3A_278 = arith.extui %sign3A_277 : i1 to i32
        %sign3A_279 = arith.constant 0 : i32
        %sign3A_280 = arith.cmpi slt, %add3A_273, %sign3A_279 : i32
        %sign3A_281 = arith.extui %sign3A_280 : i1 to i32
        %sign3A_282 = arith.subi %sign3A_278, %sign3A_281 : i32
        %sign3A_283 = arith.constant 0 : i32
        %sign3A_284 = arith.cmpi sgt, %jit3A_274, %sign3A_283 : i32
        %sign3A_285 = arith.extui %sign3A_284 : i1 to i32
        %sign3A_286 = arith.constant 0 : i32
        %sign3A_287 = arith.cmpi slt, %jit3A_274, %sign3A_286 : i32
        %sign3A_288 = arith.extui %sign3A_287 : i1 to i32
        %sign3A_289 = arith.subi %sign3A_285, %sign3A_288 : i32
        %ne3A_290 = arith.cmpi ne, %sign3A_282, %sign3A_289 : i32
        %rem3A_291 = arith.remsi %add3A_273, %jit3A_274 : i32
        %ne3A_292 = arith.constant 0 : i32
        %ne3A_293 = arith.cmpi ne, %rem3A_291, %ne3A_292 : i32
        %and3A_294 = arith.andi %ne3A_290, %ne3A_293 : i1
        %sub3A_295 = arith.constant 1 : i32
        %sub3A_296 = arith.subi %div3A_275, %sub3A_295 : i32
        %select_n3A_297 = arith.select %and3A_294, %sub3A_296, %div3A_275 : i32
        %jit3A_298 = arith.constant 16 : i32
        %eq3A_299 = arith.constant 0 : i32
        %eq3A_300 = arith.cmpi eq, %jit3A_298, %eq3A_299 : i32
        %jit3A_301 = arith.constant 1 : i32
        %select_n3A_302 = arith.select %eq3A_300, %jit3A_301, %jit3A_298 : i32
        %rem3A_303 = arith.remsi %add3A_273, %select_n3A_302 : i32
        %ne3A_304 = arith.constant 0 : i32
        %ne3A_305 = arith.cmpi ne, %rem3A_303, %ne3A_304 : i32
        %lt3A_306 = arith.constant 0 : i32
        %lt3A_307 = arith.cmpi slt, %rem3A_303, %lt3A_306 : i32
        %lt3A_308 = arith.constant 0 : i32
        %lt3A_309 = arith.cmpi slt, %select_n3A_302, %lt3A_308 : i32
        %ne3A_310 = arith.xori %lt3A_307, %lt3A_309 : i1
        %and3A_311 = arith.andi %ne3A_310, %ne3A_305 : i1
        %add3A_312 = arith.addi %rem3A_303, %select_n3A_302 : i32
        %select_n3A_313 = arith.select %and3A_311, %add3A_312, %rem3A_303 : i32
        %dma_start3A_314 = arith.constant 1 : i32
        %dma_start3A_315 = arith.constant 0 : i32
        %dma_start3A_316 = tpu.memref_slice %arg6[%dma_start3A_314, %dma_start3A_315] : memref<2x8192xi32, #tpu.memory_space<vmem>> -> memref<1x8192xi32, #tpu.memory_space<vmem>>
        %dma_start3A_317 = tpu.memref_squeeze %dma_start3A_316 : memref<1x8192xi32, #tpu.memory_space<vmem>> -> memref<8192xi32, #tpu.memory_space<vmem>>
        %dma_start3A_318 = arith.constant 8192 : i32
        %dma_start3A_319 = tpu.memref_slice %arg3[%select_n3A_297, %dma_start3A_318] : memref<26x16384xi32, #tpu.memory_space<hbm>> -> memref<1x8192xi32, #tpu.memory_space<hbm>>
        %dma_start3A_320 = tpu.memref_squeeze %dma_start3A_319 : memref<1x8192xi32, #tpu.memory_space<hbm>> -> memref<8192xi32, #tpu.memory_space<hbm>>
        %dma_start3A_321 = arith.constant 0 : i32
        %dma_start3A_322 = tpu.memref_slice %arg6[%dma_start3A_314, %dma_start3A_321] : memref<2x8192xi32, #tpu.memory_space<vmem>> -> memref<1x8192xi32, #tpu.memory_space<vmem>>
        %dma_start3A_323 = tpu.memref_squeeze %dma_start3A_322 : memref<1x8192xi32, #tpu.memory_space<vmem>> -> memref<8192xi32, #tpu.memory_space<vmem>>
        %dma_start3A_324 = arith.constant 8192 : i32
        %dma_start3A_325 = tpu.memref_slice %arg3[%select_n3A_297, %dma_start3A_324] : memref<26x16384xi32, #tpu.memory_space<hbm>> -> memref<1x8192xi32, #tpu.memory_space<hbm>>
        %dma_start3A_326 = tpu.memref_squeeze %dma_start3A_325 : memref<1x8192xi32, #tpu.memory_space<hbm>> -> memref<8192xi32, #tpu.memory_space<hbm>>
        tpu.enqueue_dma source(%dma_start3A_326 : memref<8192xi32, #tpu.memory_space<hbm>>) target(%dma_start3A_323 : memref<8192xi32, #tpu.memory_space<vmem>>) target_semaphore(%arg10 : memref<!tpu.dma_semaphore, #tpu.memory_space<semaphore_mem>>)
      } else {
      }
    }
    %scan3A_61 = arith.constant 13 : i32
    %dma_wait3A = arith.constant 0 : i32
    %dma_wait3A_62 = arith.constant 0 : i32
    %dma_wait3A_63 = arith.constant 0 : i32
    %dma_wait3A_64 = arith.constant 0 : i32
    %dma_wait3A_65 = tpu.memref_slice %arg7[%dma_wait3A, %dma_wait3A_64] : memref<2x4096xf32, #tpu.memory_space<vmem>> -> memref<1x4096xf32, #tpu.memory_space<vmem>>
    %dma_wait3A_66 = tpu.memref_squeeze %dma_wait3A_65 : memref<1x4096xf32, #tpu.memory_space<vmem>> -> memref<4096xf32, #tpu.memory_space<vmem>>
    %dma_wait3A_67 = arith.constant 0 : i32
    %dma_wait3A_68 = tpu.memref_slice %arg4[%dma_wait3A_62, %dma_wait3A_63, %dma_wait3A_67] : memref<26x16x16384xf32, #tpu.memory_space<hbm>> -> memref<1x1x4096xf32, #tpu.memory_space<hbm>>
    %dma_wait3A_69 = tpu.memref_squeeze %dma_wait3A_68 : memref<1x1x4096xf32, #tpu.memory_space<hbm>> -> memref<4096xf32, #tpu.memory_space<hbm>>
    %dma_wait3A_70 = arith.constant 0 : i32
    %dma_wait3A_71 = tpu.memref_slice %arg4[%dma_wait3A_62, %dma_wait3A_63, %dma_wait3A_70] : memref<26x16x16384xf32, #tpu.memory_space<hbm>> -> memref<1x1x4096xf32, #tpu.memory_space<hbm>>
    %dma_wait3A_72 = tpu.memref_squeeze %dma_wait3A_71 : memref<1x1x4096xf32, #tpu.memory_space<hbm>> -> memref<4096xf32, #tpu.memory_space<hbm>>
    %dma_wait3A_73 = arith.constant 0 : i32
    %dma_wait3A_74 = tpu.memref_slice %arg7[%dma_wait3A, %dma_wait3A_73] : memref<2x4096xf32, #tpu.memory_space<vmem>> -> memref<1x4096xf32, #tpu.memory_space<vmem>>
    %dma_wait3A_75 = tpu.memref_squeeze %dma_wait3A_74 : memref<1x4096xf32, #tpu.memory_space<vmem>> -> memref<4096xf32, #tpu.memory_space<vmem>>
    tpu.wait_dma2 semaphore(%arg11 : memref<!tpu.dma_semaphore, #tpu.memory_space<semaphore_mem>>) src(%dma_wait3A_75 : memref<4096xf32, #tpu.memory_space<vmem>>) dst(%dma_wait3A_72 : memref<4096xf32, #tpu.memory_space<hbm>>)
    %dma_wait3A_76 = arith.constant 1 : i32
    %dma_wait3A_77 = arith.constant 0 : i32
    %dma_wait3A_78 = arith.constant 0 : i32
    %dma_wait3A_79 = arith.constant 0 : i32
    %dma_wait3A_80 = tpu.memref_slice %arg7[%dma_wait3A_76, %dma_wait3A_79] : memref<2x4096xf32, #tpu.memory_space<vmem>> -> memref<1x4096xf32, #tpu.memory_space<vmem>>
    %dma_wait3A_81 = tpu.memref_squeeze %dma_wait3A_80 : memref<1x4096xf32, #tpu.memory_space<vmem>> -> memref<4096xf32, #tpu.memory_space<vmem>>
    %dma_wait3A_82 = arith.constant 0 : i32
    %dma_wait3A_83 = tpu.memref_slice %arg4[%dma_wait3A_77, %dma_wait3A_78, %dma_wait3A_82] : memref<26x16x16384xf32, #tpu.memory_space<hbm>> -> memref<1x1x4096xf32, #tpu.memory_space<hbm>>
    %dma_wait3A_84 = tpu.memref_squeeze %dma_wait3A_83 : memref<1x1x4096xf32, #tpu.memory_space<hbm>> -> memref<4096xf32, #tpu.memory_space<hbm>>
    %dma_wait3A_85 = arith.constant 0 : i32
    %dma_wait3A_86 = tpu.memref_slice %arg4[%dma_wait3A_77, %dma_wait3A_78, %dma_wait3A_85] : memref<26x16x16384xf32, #tpu.memory_space<hbm>> -> memref<1x1x4096xf32, #tpu.memory_space<hbm>>
    %dma_wait3A_87 = tpu.memref_squeeze %dma_wait3A_86 : memref<1x1x4096xf32, #tpu.memory_space<hbm>> -> memref<4096xf32, #tpu.memory_space<hbm>>
    %dma_wait3A_88 = arith.constant 0 : i32
    %dma_wait3A_89 = tpu.memref_slice %arg7[%dma_wait3A_76, %dma_wait3A_88] : memref<2x4096xf32, #tpu.memory_space<vmem>> -> memref<1x4096xf32, #tpu.memory_space<vmem>>
    %dma_wait3A_90 = tpu.memref_squeeze %dma_wait3A_89 : memref<1x4096xf32, #tpu.memory_space<vmem>> -> memref<4096xf32, #tpu.memory_space<vmem>>
    tpu.wait_dma2 semaphore(%arg12 : memref<!tpu.dma_semaphore, #tpu.memory_space<semaphore_mem>>) src(%dma_wait3A_90 : memref<4096xf32, #tpu.memory_space<vmem>>) dst(%dma_wait3A_87 : memref<4096xf32, #tpu.memory_space<hbm>>)
    return
  }
}

</mosaic_0001>

<sc_bundles>
// kernel: kernel.3.cloned.1.call-start
scs
__scs_entry_jumppad:
0x0: {  	(pc) =	sbr.rel $0x88, $3  }
0x1: {  	(tag) =	ssettag $0x0;
	lr =	simm.s32 $0x1  }
0x2: {  	[smem:$0x3F9F] =	sst lr;
	_ =	strace $0xD0000000  }
0x3: {  	_ = 	snop  }
0x4: {  	_ = 	snop  }
0x5: {  	_ = 	snop  }
0x6: {  	_ = 	snop  }
0x7: {  	_ = 	snop  }
__scs_overlays_trampoline_lowered:
0x8: {  	[smem:$0x3FAE] =	sst s0  }
0x9: {  	[smem:$0x3FAF] =	sst s1  }
0xa: {  	[smem:$0x3FB0] =	sst s2  }
0xb: {  	[smem:$0x3FB1] =	sst s3  }
0xc: {  	[smem:$0x3FB2] =	sst s4  }
0xd: {  	[smem:$0x3FB3] =	sst s5  }
0xe: {  	[smem:$0x3FB4] =	sst s6  }
0xf: {  	[smem:$0x3FB5] =	sst s7  }
0x10: {  	[smem:$0x3FB6] =	sst s8  }
0x11: {  	[smem:$0x3FB7] =	sst s9;
	s0 =	simm.s32 @!p0 $0x0  }
0x12: {  	s1 =	sld [smem:$0x3F9D];
	s0 =	simm.s32 @p0 $0x1  }
0x13: {  	[smem:$0x3FB8] =	sst s0;
	s0 =	simm.s32 @!p1 $0x0  }
0x14: {  	s2 =	sld [smem:$0x3F9C];
	s0 =	simm.s32 @p1 $0x1  }
0x15: {  	[smem:$0x3FB9] =	sst s0;
	s0 =	simm.s32 @!p2 $0x0  }
0x16: {  	s3 =	sld [smem:$0x3FDB];
	s0 =	simm.s32 @p2 $0x1  }
0x17: {  	s4 =	simm.s32 $0x1BF5;
	[smem:$0x3FBB] =	sst s0  }
0x18: {  	s0 =	sld [smem:$0x3F9E];
	_ =	swait.ge [sflag:s4], $0x0  }
0x19: {  	s7 =	sld [smem:$0x3F9F]  }
0x1a: {  	s8 =	sadd.s32 $0xFFFFE003, lr  }
0x1b: {  	s9 =	sadd.s32 $0xFFFFFEF7, lr;
	s5 =	simm.s32 $0xFFFFFFFF;
	p2 =	slt.u32 s8, $0xFFFFF086  }
0x1c: {  	p1 =	slt.u32 s9, $0xF7A;
	s5 =	simm.s32 @!p2 $0x0  }
0x1d: {  	s5 =	simm.s32 @p1 $0x1;
	p0 =	seq.s32 s7, s2  }
0x1e: {  	s7 =	smul.u32 @!p0 $0xF7A, s2;
	p2 =	seq.s32 @!p0 s5, $0x0  }
0x1f: {  	s9 =	smul.u32 $0xF7A, s1;
	s8 =	simm.s32 @!p0 $0x1BF5;
	p2 =	por !p2, p0  }
0x20: {  	[sflag:s8] =	ssyncset.s32 @!p0 $0xFFFFF086;
	s6 =	sadd.s32 @!p0 s3, s7;
	s7 =	simm.s32 @!p0 $0x108  }
0x21: {  	s3 =	sadd.s32 s3, s9;
	s6 =	sadd.s32 @!p0 $0x88, s6;
	s7 =	simm.s32 @p2 $0x1082  }
0x22: {  	[simem:s7], [sflag:s8] =	dma.local @!p0 [hbm:s6], $0xF7A  }
0x23: {  	s9 =	sor.u32 $0xD0000000, s2;
	s6 =	simm.s32 $0x108;
	_ =	swait.ge @!p0 [sflag:s8], $0x0  }
0x24: {  	s3 =	sadd.s32 $0x88, s3;
	s6 =	simm.s32 @!p1 $0x1082;
	[sflag:s4] =	ssyncset.s32 $0xFFFFF086  }
0x25: {  	[simem:s6], [sflag:s4] =	dma.local [hbm:s3], $0xF7A  }
0x26: {  	[smem:$0x3F9F] =	sst s1;
	(tag) =	ssettag s2;
	_ =	strace s9  }
0x27: {  	s1 =	sld [smem:$0x3FAF]  }
0x28: {  	s2 =	sld [smem:$0x3FB0]  }
0x29: {  	s4 =	sld [smem:$0x3FB2]  }
0x2a: {  	p0 =	seq.s32 s5, $0x0;
	s5 =	sld [smem:$0x3FB3]  }
0x2b: {  	s6 =	sld [smem:$0x3FB4]  }
0x2c: {  	s7 =	sld [smem:$0x3FB5]  }
0x2d: {  	s3 =	simm.s32 $0x108;
	s8 =	sld [smem:$0x3FB6]  }
0x2e: {  	s3 =	simm.s32 @!p0 $0x1082;
	s9 =	sld [smem:$0x3FB7]  }
0x2f: {  	lr =	sadd.s32 s0, s3;
	s0 =	sld [smem:$0x3FAE]  }
0x30: {  	s3 =	sld [smem:$0x3FB1]  }
0x31: {  	[smem:$0x3FBA] =	sst s10  }
0x32: {  	s10 =	sld [smem:$0x3FB8];
	_ =	sdelay $0x3  }
0x33: {  	p0 =	seq.s32 s10, $0x1;
	s10 =	sld [smem:$0x3FBA];
	_ =	sdelay $0x3  }
0x34: {  	[smem:$0x3FBA] =	sst s10  }
0x35: {  	s10 =	sld [smem:$0x3FB9];
	_ =	sdelay $0x3  }
0x36: {  	p1 =	seq.s32 s10, $0x1;
	s10 =	sld [smem:$0x3FBA];
	_ =	sdelay $0x3  }
0x37: {  	[smem:$0x3FBA] =	sst s10  }
0x38: {  	s10 =	sld [smem:$0x3FBB]  }
0x39: {  	_ = 	snop;
	(pc) =	sbr.ind lr, $3  }
0x3a: {  	_ = 	snop  }
0x3b: {  	_ = 	snop  }
0x3c: {  	p2 =	seq.s32 s10, $0x1;
	s10 =	sld [smem:$0x3FBA]  }
0x3d: {  	_ =	shalt  }
0x3e: {  	_ =	shalt  }
0x3f: {  	_ =	shalt  }
0x40: {  	_ =	shalt  }
0x41: {  	_ =	shalt  }
0x42: {  	_ =	shalt  }
0x43: {  	_ =	shalt  }
0x44: {  	_ =	shalt  }
0x45: {  	_ =	shalt  }
0x46: {  	_ =	shalt  }
0x47: {  	_ =	shalt  }
0x48: {  	_ =	shalt  }
0x49: {  	_ =	shalt  }
0x4a: {  	_ =	shalt  }
0x4b: {  	_ =	shalt  }
0x4c: {  	_ =	shalt  }
0x4d: {  	_ =	shalt  }
0x4e: {  	_ =	shalt  }
0x4f: {  	_ =	shalt  }
0x50: {  	_ =	shalt  }
0x51: {  	_ =	shalt  }
0x52: {  	_ =	shalt  }
0x53: {  	_ =	shalt  }
0x54: {  	_ =	shalt  }
0x55: {  	_ =	shalt  }
0x56: {  	_ =	shalt  }
0x57: {  	_ =	shalt  }
0x58: {  	_ =	shalt  }
0x59: {  	_ =	shalt  }
0x5a: {  	_ =	shalt  }
0x5b: {  	_ =	shalt  }
0x5c: {  	_ =	shalt  }
0x5d: {  	_ =	shalt  }
0x5e: {  	_ =	shalt  }
0x5f: {  	_ =	shalt  }
0x60: {  	_ =	shalt  }
0x61: {  	_ =	shalt  }
0x62: {  	_ =	shalt  }
0x63: {  	_ =	shalt  }
0x64: {  	_ =	shalt  }
0x65: {  	_ =	shalt  }
0x66: {  	_ =	shalt  }
0x67: {  	_ =	shalt  }
0x68: {  	_ =	shalt  }
0x69: {  	_ =	shalt  }
0x6a: {  	_ =	shalt  }
0x6b: {  	_ =	shalt  }
0x6c: {  	_ =	shalt  }
0x6d: {  	_ =	shalt  }
0x6e: {  	_ =	shalt  }
0x6f: {  	_ =	shalt  }
0x70: {  	_ =	shalt  }
0x71: {  	_ =	shalt  }
0x72: {  	_ =	shalt  }
0x73: {  	_ =	shalt  }
0x74: {  	_ =	shalt  }
0x75: {  	_ =	shalt  }
0x76: {  	_ =	shalt  }
0x77: {  	_ =	shalt  }
0x78: {  	_ =	shalt  }
0x79: {  	_ =	shalt  }
0x7a: {  	_ =	shalt  }
0x7b: {  	_ =	shalt  }
0x7c: {  	_ =	shalt  }
0x7d: {  	_ =	shalt  }
0x7e: {  	_ =	shalt  }
0x7f: {  	_ =	shalt  }
0x80: {  	_ =	shalt  }
0x81: {  	_ =	shalt  }
0x82: {  	_ =	shalt  }
0x83: {  	_ =	shalt  }
0x84: {  	_ =	shalt  }
0x85: {  	_ =	shalt  }
0x86: {  	_ =	shalt  }
0x87: {  	_ =	shalt  }
.Lfunc_end0:
.L_simem_size_0:
called_computation_lowered:
.L_overlay_start_0:
0x88: {  	s2 =	sld [smem:$0x3FD9]  }
0x89: {  	s3 =	sld [smem:$0x3FFE];
	_ =	sdelay $0x1  }
0x8a: {  	s1 =	srdreg.scid  }
0x8b: {  	s0 =	sand.u32 $0x1, s1  }
0x8c: {  	s18 =	sshll.u32 s0, $0xA;
	s2 =	sadd.s32 s3, s2  }
0x8d: {  	s2 =	sadd.s32 s2, s18  }
0x8e: {  	[smem:$0x3FC6] =	sst s2  }
0x8f: {  	_ = 	snop  }
0x90: {  	s2 =	sld [smem:$0x3FC9]  }
0x91: {  	s19 =	sld [smem:$0x3FC8]  }
0x92: {  	s4 =	sld [smem:$0x3FD0];
	(tm) =	ssettm $0x1  }
0x93: {  	s5 =	sld [smem:$0x3FFB];
	_ =	sdelay $0x3  }
0x94: {  	_ =	strace s5  }
0x95: {  	s5 =	sld [smem:$0x3FFC];
	_ =	sdelay $0x3  }
0x96: {  	_ =	strace s5  }
0x97: {  	s5 =	sld [smem:$0x3FFD];
	_ =	sdelay $0x3  }
0x98: {  	_ =	strace s5  }
0x99: {  	_ =	strace $0x8FFFFFFF  }
0x9a: {  	s20 =	sld [smem:$0x3FDB];
	_ =	sdelay $0x1  }
0x9b: {  	s6 =	simm.s32 $_scs_section_size  }
0x9c: {  	s7 =	simm.s32 $_size__tile_overlayer_lowered;
	s8 =	simm.s32 $_tile_overlayer_lowered  }
0x9d: {  	s23 =	simm.s32 $0x1BFF;
	s22 =	sshll.u32 s8, $0x1;
	s5 =	sadd.s32 s6, s20  }
0x9e: {  	s9 =	simm.s32 $0x0;
	s21 =	sshll.u32 s7, $0x1;
	s7 =	sadd.s32 s22, s5  }
0x9f: {  	[timem:s9], [sflag:s23] =	dma.local [hbm:s7], s21  }
0xa0: {  	_ =	swait.ge [sflag:s23], s21  }
0xa1: {  	s6 =	ssub.s32 $0x0, s21;
	[sflag:s23] =	ssyncset.done $0x0  }
0xa2: {  	[sflag:s23] =	ssyncadd.s32 s6;
	_ =	sdelay $0x1  }
0xa3: {  	s24 =	simm.s32 $0x1B8B  }
0xa4: {  	_ =	swait.ge [sflag:s24], $0x1  }
0xa5: {  	[sflag:s24] =	ssyncset.done $0x0  }
0xa6: {  	s25 =	simm.s32 $0x1B8E;
	[sflag:s24] =	ssyncadd.s32 $0xFFFFFFFF  }
0xa7: {  	s26 =	simm.s32 $execute0_lowered;
	[smem:$0x3FD2] =	sst s25  }
0xa8: {  	s6 =	sshll.u32 s26, $0x1;
	_ =	strace $0x80000046;
	[dreg:$0x1] =	wrdreg $0xFFFFFFFF  }
0xa9: {  	s28 =	simm.s32 $_size_execute0_lowered;
	s5 =	sadd.s32 s5, s6;
	[dreg:$0x0] =	wrdreg $0x0  }
0xaa: {  	s6 =	sshll.u32 s28, $0x1;
	[dreg:$0x2] =	wrdreg s5  }
0xab: {  	[dreg:$0x3] =	wrdreg s6  }
0xac: {  	[dreg:$0x4] =	wrdreg $0xC0  }
0xad: {  	_ =	task [dreg:s9], $0x5FFFF  }
0xae: {  	[dreg:$0x1] =	wrdreg $0xFFFFFFFF  }
0xaf: {  	[dreg:$0x0] =	wrdreg $0x60  }
0xb0: {  	[dreg:$0x2] =	wrdreg s2  }
0xb1: {  	[dreg:$0x3] =	wrdreg s19  }
0xb2: {  	[dreg:$0x4] =	wrdreg s4  }
0xb3: {  	[dreg:$0x5] =	wrdreg $0x9  }
0xb4: {  	_ =	task.clear_ibuf [dreg:s9], $0x6FFFF;
	_ =	strace $0x90000046  }
0xb5: {  	s29 =	simm.s32 $0x9;
	_ =	strace $0x80000048  }
0xb6: {  	_ =	swait.ge [sflag:s29], $0x1  }
0xb7: {  	[sflag:s29] =	ssyncadd.s32 $0xFFFFFFFF  }
0xb8: {  	_ =	strace $0x90000048  }
0xb9: {  	_ =	sfence  }
0xba: {  	s30 =	sld [smem:$0x0];
	_ =	sdelay $0x2  }
0xbb: {  	s31 =	sshll.u32 s1, $0xD;
	s1 =	sshrl.u32 s1, $0x2  }
0xbc: {  	s3 =	sand.u32 $0x4000, s31;
	s1 =	sadd.s32 s1, s30  }
0xbd: {  	s0 =	sor.u32 s3, s0;
	s1 =	sshll.u32 s1, $0x11  }
0xbe: {  	s0 =	sor.u32 s1, s0  }
0xbf: {  	s0 =	sadd.s32 $0x8F2B, s0  }
0xc0: {  	[sflag:s0] =	ssyncadd.remote.s32 $0x1  }
0xc1: {  	_ =	sfence.sel $0xFFFF  }
0xc2: {  	[dreg:$0x0] =	wrdreg $0xFFFFFFFF;
	(pc) =	sbr.abs _section_cstart, $3  }
0xc3: {  	[dreg:$0x1] =	wrdreg $0xFFFFFFFF  }
0xc4: {  	_ =	task.clear_ibuf [dreg:s9], $0x2FFFF;
	_ =	strace $0x9FFFFFFF  }
0xc5: {  	(tm) =	ssettm $0x7FFFFFFF  }
tec
execute0_lowered:
.L_overlay_start_1:
0x0: {  	(tag) =	ssettag $0x1  }
0x1: {  	s1 =	rddreg [dreg:$0x0]  }
0x2: {  	s2 =	srdreg.scid;
	s3 =	rddreg [dreg:$0x1]  }
0x3: {  	s0 =	stileid.u32;
	s4 =	rddreg [dreg:$0x2];
	s6 =	simm.s32 $0x0  }
0x4: {  	s14 =	simm.s32 $0x80;
	s7 =	sand.u32 $0x1, s2;
	s30 =	sshll.u32 s0, $0x1  }
0x5: {  	s15 =	simm.s32 $0x400;
	s16 =	simm.s32 $0x1;
	s8 =	sor.u32 s7, s30  }
0x6: {  	s17 =	simm.s32 $0x4;
	s18 =	simm.s32 $0x5;
	s5 =	smul.u32 $0xD, s8  }
0x7: {  	s19 =	simm.s32 $0x0;
	s2 =	rddreg [dreg:$0x3];
	s8 =	smul.u32 $0x680, s8  }
.Ltmp0:
0x8: {  	[smem:$0x7FF] =	sst s6;
	s10 =	sadd.s32 $0x1000, s4;
	(pc) =	sbr.rel .LBB2_1-.Ltmp0, $4  }
0x9: {  	s11 =	sadd.s32 $0x2000, s4;
	s12 =	sadd.s32 $0x3000, s4;
	s7 =	ssub.s32 $0x2, s7  }
0xa: {  	_ =	strace $0x80000047;
	s9 =	sshrl.u32 s7, $0x1;
	s8 =	sor.u32 s5, s8  }
0xb: {  	s13 =	ssub.s32 s7, s9;
	s7 =	sadd.s32 $0x2000, s3;
	s31 =	sand.u32 $0xC070, s8  }
0xc: {  	s13 =	smax.u32 s13, $0x1;
	s8 =	sadd.s32 s3, s31;
	s9 =	sadd.s32 s31, s7  }
.LBB2_31:
0xd: {  	s19 =	sadd.s32 $0x1, s19  }
0xe: {  	_ =	swait.ge [sflag:s17], $0x1000;
	p0 =	sne.s32 s19, s13  }
.Ltmp1:
0xf: {  	[sflag:s17] =	ssyncset.done $0x0;
	(pc) =	sbr.rel @!p0 .LBB2_32-.Ltmp1, $4  }
0x10: {  	[sflag:s17] =	ssyncadd.s32 $0xFFFFF000  }
0x11: {  	_ =	swait.ge [sflag:s18], $0x1000  }
0x12: {  	[sflag:s18] =	ssyncset.done $0x0  }
0x13: {  	[sflag:s18] =	ssyncadd.s32 $0xFFFFF000  }
.LBB2_1:
0x14: {  	s20 =	simm.s32 $0x18700  }
0x15: {  	s21 =	simm.s32 $0x80;
	s23 =	sadd.s32 $0x0, s8;
	s22 =	simm.s32 $0x18800  }
.LBB2_2:
0x16: {  	[tilespmem:s20], [sflag:$0x2] =	stream.linear.gather [hbm4b:s23+s6], $0x80, $0x38;
	[tilespmem:$0x1E700] =	vst v63  }
0x17: {  	s23 =	smov.u32 s21;
	s20 =	smov.u32 s22;
	p0 =	sne.s32 s21, $0x1F80  }
.Ltmp2:
0x18: {  	s21 =	sadd.s32 $0x80, s21;
	(pc) =	sbr.rel @p0 .LBB2_2-.Ltmp2, $2  }
0x19: {  	_ =	sdelay $0x2  }
0x1a: {  	s22 =	sadd.s32 $0x100, s22;
	s23 =	sadd.s32 s23, s8  }
0x1b: {  	[tilespmem:s20], [sflag:$0x2] =	stream.linear.gather [hbm4b:s23+s6], $0x80, $0x38;
	[tilespmem:$0x1E700] =	vst v63  }
0x1c: {  	s20 =	simm.s32 $0x0;
	s21 =	simm.s32 $0x18780  }
0x1d: {  	s22 =	simm.s32 $0x80;
	s24 =	sadd.s32 $0x0, s9;
	s23 =	simm.s32 $0x18880  }
.LBB2_4:
0x1e: {  	[tilespmem:s21], [sflag:$0x3] =	stream.linear.gather [hbm4b:s24+s20], $0x80, $0x38;
	[tilespmem:$0x1E700] =	vst v63  }
0x1f: {  	s24 =	smov.u32 s22;
	s21 =	smov.u32 s23;
	p0 =	sne.s32 s22, $0x1F80  }
.Ltmp3:
0x20: {  	s22 =	sadd.s32 $0x80, s22;
	(pc) =	sbr.rel @p0 .LBB2_4-.Ltmp3, $2  }
0x21: {  	_ =	sdelay $0x2  }
0x22: {  	s23 =	sadd.s32 $0x100, s23;
	s24 =	sadd.s32 s24, s9  }
.Ltmp4:
0x23: {  	(pc) =	sbr.rel .LBB2_6-.Ltmp4, $2  }
0x24: {  	_ =	sdelay $0x2  }
0x25: {  	[tilespmem:s21], [sflag:$0x3] =	stream.linear.gather [hbm4b:s24+s20], $0x80, $0x38;
	[tilespmem:$0x1E700] =	vst v63  }
.LBB2_30:
0x26: {  	s20 =	sadd.s32 $0x1, s20  }
0x27: {  	p0 =	sne.s32 s20, $0xD  }
.Ltmp5:
0x28: {  	_ = 	snop;
	(pc) =	sbr.rel @!p0 .LBB2_31-.Ltmp5, $1  }
0x29: {  	_ =	sdelay $0x3  }
.LBB2_6:
0x2a: {  	s22 =	sadd.s32 s5, s20  }
0x2b: {  	s21 =	sshrl.u32 s22, $0x4;
	s23 =	sand.u32 $0xF, s22  }
0x2c: {  	s24 =	sshrl.u32 s23, $0x3;
	s26 =	smul.u32 $0x187000, s21  }
0x2d: {  	s28 =	smul.u32 $0xC3800, s24  }
0x2e: {  	s25 =	sshll.u32 s22, $0x7  }
0x2f: {  	s25 =	sand.u32 $0x380, s25;
	s26 =	sadd.s32 s26, s28  }
0x30: {  	s26 =	sor.u32 s25, s26  }
0x31: {  	s26 =	sshrl.u32 s26, $0x3  }
0x32: {  	s26 =	sadd.s32 s1, s26  }
0x33: {  	[tilespmem:s6], [sflag:$0x1] =	stream.strided.gather [hbm4b:s26+s14], $0x18700, s15, s14, $0x38;
	[tilespmem:$0x1E700] =	vst v63  }
0x34: {  	p1 =	seq.s32 s20, $0x0;
	p0 =	seq.s32 s23, $0x0;
	_ =	swait.ge [sflag:s16], $0x18700  }
0x35: {  	p0 =	por p1, p0;
	[sflag:s16] =	ssyncset.done $0x0  }
0x36: {  	s26 =	simm.s32 @p0 $0x2;
	[sflag:s16] =	ssyncadd.s32 $0xFFFE7900  }
0x37: {  	_ =	swait.ge @p0 [sflag:s26], $0x2000  }
0x38: {  	p2 =	seq.s32 @p0 s20, $0x0;
	[sflag:s26] =	ssyncset.done @p0 $0x0  }
0x39: {  	p2 =	por !p0, !p2;
	[sflag:s26] =	ssyncadd.s32 @p0 $0xFFFFE000  }
0x3a: {  	_ =	swait.ge @p2 [sflag:s17], $0x1000  }
0x3b: {  	[sflag:s17] =	ssyncset.done @p2 $0x0  }
0x3c: {  	s31 =	simm.s32 $0x18740;
	[sflag:s17] =	ssyncadd.s32 @p2 $0xFFFFF000  }
0x3d: {  	v0 =	vld [tilespmem:s31+$0x30]  }
0x3e: {  	v1 =	vld [tilespmem:s31+$0xFFFFFFD0]  }
0x3f: {  	v2 =	vld [tilespmem:s31+$0xFFFFFFE0]  }
0x40: {  	v3 =	vld [tilespmem:s31+$0xFFFFFFF0]  }
0x41: {  	v6 =	vld [tilespmem:s31+$0x0]  }
0x42: {  	v7 =	vld [tilespmem:s31+$0x10]  }
0x43: {  	v8 =	vld [tilespmem:s31+$0x20]  }
0x44: {  	v9 =	vld [tilespmem:s31+$0xFFFFFFC0]  }
0x45: {  	v10 =	vld.idx.msk [tilespmem:v0+s6+$0x0], $0xffff  }
0x46: {  	v11 =	vld.idx.msk [tilespmem:v1+s6+$0x0], $0xffff  }
0x47: {  	v5 =	vld.idx.msk [tilespmem:v2+s6+$0x0], $0xffff  }
0x48: {  	v4 =	vld.idx.msk [tilespmem:v3+s6+$0x0], $0xffff  }
0x49: {  	v3 =	vld.idx.msk [tilespmem:v6+s6+$0x0], $0xffff  }
0x4a: {  	s26 =	simm.s32 $0x1C740;
	v2 =	vld.idx.msk [tilespmem:v7+s6+$0x0], $0xffff  }
0x4b: {  	v0 =	vld.idx.msk [tilespmem:v8+s6+$0x0], $0xffff;
	[tilespmem:s26+$0x30] =	vst v10  }
0x4c: {  	s29 =	simm.s32 $0x18840;
	s28 =	simm.s32 $0x0;
	v1 =	vld.idx.msk [tilespmem:v9+s6+$0x0], $0xffff;
	[tilespmem:s26+$0xFFFFFFD0] =	vst v11  }
.LBB2_7:
0x4d: {  	v6 =	vld [tilespmem:s29+$0x30];
	s28 =	sadd.s32 $0x8, s28;
	[tilespmem:s26+$0xFFFFFFE0] =	vst v5  }
0x4e: {  	v5 =	vld [tilespmem:s29+$0xFFFFFFD0];
	p2 =	slt.u32 s28, $0xF8;
	[tilespmem:s26+$0xFFFFFFF0] =	vst v4  }
0x4f: {  	v4 =	vld [tilespmem:s29+$0xFFFFFFE0];
	[tilespmem:s26+$0x0] =	vst v3  }
0x50: {  	v3 =	vld [tilespmem:s29+$0xFFFFFFF0];
	[tilespmem:s26+$0x10] =	vst v2  }
0x51: {  	v2 =	vld [tilespmem:s29+$0x0];
	[tilespmem:s26+$0x20] =	vst v0  }
0x52: {  	v0 =	vld [tilespmem:s29+$0x10];
	[tilespmem:s26+$0xFFFFFFC0] =	vst v1  }
0x53: {  	v1 =	vld [tilespmem:s29+$0x20]  }
0x54: {  	v7 =	vld [tilespmem:s29+$0xFFFFFFC0]  }
0x55: {  	v6 =	vld.idx.msk [tilespmem:v6+s6+$0x0], $0xffff  }
0x56: {  	v8 =	vld.idx.msk [tilespmem:v5+s6+$0x0], $0xffff  }
0x57: {  	v5 =	vld.idx.msk [tilespmem:v4+s6+$0x0], $0xffff  }
.Ltmp6:
0x58: {  	v4 =	vld.idx.msk [tilespmem:v3+s6+$0x0], $0xffff;
	(pc) =	sbr.rel @p2 .LBB2_7-.Ltmp6, $4  }
0x59: {  	v3 =	vld.idx.msk [tilespmem:v2+s6+$0x0], $0xffff  }
0x5a: {  	s26 =	sadd.s32 $0x100, s26;
	v2 =	vld.idx.msk [tilespmem:v0+s6+$0x0], $0xffff  }
0x5b: {  	v0 =	vld.idx.msk [tilespmem:v1+s6+$0x0], $0xffff;
	[tilespmem:s26+$0x30] =	vst v6  }
0x5c: {  	s29 =	sadd.s32 $0x100, s29;
	v1 =	vld.idx.msk [tilespmem:v7+s6+$0x0], $0xffff;
	[tilespmem:s26+$0xFFFFFFD0] =	vst v8  }
0x5d: {  	[tilespmem:s26+$0xFFFFFFE0] =	vst v5;
	s21 =	sshll.u32 s21, $0x12;
	s24 =	sshll.u32 s24, $0x11  }
0x5e: {  	[tilespmem:s26+$0xFFFFFFF0] =	vst v4;
	s21 =	sor.u32 s21, s24  }
0x5f: {  	[tilespmem:s26+$0x0] =	vst v3;
	s21 =	sor.u32 s25, s21  }
0x60: {  	[tilespmem:s26+$0x10] =	vst v2;
	s21 =	sshrl.u32 s21, $0x3  }
0x61: {  	s28 =	simm.s32 $0x1C800;
	[tilespmem:s26+$0x20] =	vst v0;
	s24 =	sadd.s32 s4, s21  }
0x62: {  	s25 =	simm.s32 $0x1C700;
	[tilespmem:s26+$0xFFFFFFC0] =	vst v1;
	s26 =	simm.s32 $0x80;
	s29 =	sadd.s32 $0x0, s24  }
.LBB2_9:
0x63: {  	[hbm4b:s29+s6] =	stream.linear.scatter [tilespmem:s25], [sflag:$0x4], $0x80, $0x38;
	[tilespmem:$0x1E700] =	vst v63  }
0x64: {  	s29 =	smov.u32 s26;
	s25 =	smov.u32 s28;
	p2 =	sne.s32 s26, $0xF80  }
.Ltmp7:
0x65: {  	s26 =	sadd.s32 $0x80, s26;
	(pc) =	sbr.rel @p2 .LBB2_9-.Ltmp7, $2  }
0x66: {  	_ =	sdelay $0x2  }
0x67: {  	s28 =	sadd.s32 $0x100, s28;
	s29 =	sadd.s32 s29, s24  }
0x68: {  	[hbm4b:s29+s6] =	stream.linear.scatter [tilespmem:s25], [sflag:$0x4], $0x80, $0x38;
	[tilespmem:$0x1E700] =	vst v63  }
0x69: {  	s24 =	simm.s32 @!p1 $0x5  }
0x6a: {  	_ =	swait.ge @!p1 [sflag:s24], $0x1000  }
0x6b: {  	[sflag:s24] =	ssyncset.done @!p1 $0x0  }
0x6c: {  	s31 =	simm.s32 $0x1A770;
	[sflag:s24] =	ssyncadd.s32 @!p1 $0xFFFFF000  }
0x6d: {  	v0 =	vld [tilespmem:s31+$0x0]  }
0x6e: {  	v1 =	vld [tilespmem:s31+$0xFFFFFFA0]  }
0x6f: {  	v2 =	vld [tilespmem:s31+$0xFFFFFFB0]  }
0x70: {  	v3 =	vld [tilespmem:s31+$0xFFFFFFC0]  }
0x71: {  	v6 =	vld [tilespmem:s31+$0xFFFFFFD0]  }
0x72: {  	v7 =	vld [tilespmem:s31+$0xFFFFFFE0]  }
0x73: {  	v8 =	vld [tilespmem:s31+$0xFFFFFFF0]  }
0x74: {  	v9 =	vld [tilespmem:s31+$0xFFFFFF90]  }
0x75: {  	v10 =	vld.idx.msk [tilespmem:v0+s6+$0x0], $0xffff  }
0x76: {  	v11 =	vld.idx.msk [tilespmem:v1+s6+$0x0], $0xffff  }
0x77: {  	v5 =	vld.idx.msk [tilespmem:v2+s6+$0x0], $0xffff  }
0x78: {  	v4 =	vld.idx.msk [tilespmem:v3+s6+$0x0], $0xffff  }
0x79: {  	v0 =	vld.idx.msk [tilespmem:v6+s6+$0x0], $0xffff  }
0x7a: {  	s24 =	simm.s32 $0x1C7F0;
	v1 =	vld.idx.msk [tilespmem:v7+s6+$0x0], $0xffff  }
0x7b: {  	v2 =	vld.idx.msk [tilespmem:v8+s6+$0x0], $0xffff;
	[tilespmem:s24+$0x0] =	vst v10  }
0x7c: {  	s25 =	simm.s32 $0x0;
	s26 =	simm.s32 $0x1A870;
	v3 =	vld.idx.msk [tilespmem:v9+s6+$0x0], $0xffff;
	[tilespmem:s24+$0xFFFFFFA0] =	vst v11  }
.LBB2_11:
0x7d: {  	v6 =	vld [tilespmem:s26+$0x0];
	s25 =	sadd.s32 $0x8, s25;
	[tilespmem:s24+$0xFFFFFFB0] =	vst v5  }
0x7e: {  	v5 =	vld [tilespmem:s26+$0xFFFFFFA0];
	p1 =	slt.u32 s25, $0xF8;
	[tilespmem:s24+$0xFFFFFFC0] =	vst v4  }
0x7f: {  	v4 =	vld [tilespmem:s26+$0xFFFFFFB0];
	[tilespmem:s24+$0xFFFFFFD0] =	vst v0  }
0x80: {  	v0 =	vld [tilespmem:s26+$0xFFFFFFC0];
	[tilespmem:s24+$0xFFFFFFE0] =	vst v1  }
0x81: {  	v1 =	vld [tilespmem:s26+$0xFFFFFFD0];
	[tilespmem:s24+$0xFFFFFFF0] =	vst v2  }
0x82: {  	v2 =	vld [tilespmem:s26+$0xFFFFFFE0];
	[tilespmem:s24+$0xFFFFFF90] =	vst v3  }
0x83: {  	v3 =	vld [tilespmem:s26+$0xFFFFFFF0]  }
0x84: {  	v7 =	vld [tilespmem:s26+$0xFFFFFF90]  }
0x85: {  	v6 =	vld.idx.msk [tilespmem:v6+s6+$0x0], $0xffff  }
0x86: {  	v8 =	vld.idx.msk [tilespmem:v5+s6+$0x0], $0xffff  }
0x87: {  	v5 =	vld.idx.msk [tilespmem:v4+s6+$0x0], $0xffff  }
.Ltmp8:
0x88: {  	v4 =	vld.idx.msk [tilespmem:v0+s6+$0x0], $0xffff;
	(pc) =	sbr.rel @p1 .LBB2_11-.Ltmp8, $4  }
0x89: {  	v0 =	vld.idx.msk [tilespmem:v1+s6+$0x0], $0xffff  }
0x8a: {  	s24 =	sadd.s32 $0x100, s24;
	v1 =	vld.idx.msk [tilespmem:v2+s6+$0x0], $0xffff  }
0x8b: {  	v2 =	vld.idx.msk [tilespmem:v3+s6+$0x0], $0xffff;
	[tilespmem:s24+$0x0] =	vst v6  }
0x8c: {  	s26 =	sadd.s32 $0x100, s26;
	v3 =	vld.idx.msk [tilespmem:v7+s6+$0x0], $0xffff;
	[tilespmem:s24+$0xFFFFFFA0] =	vst v8  }
0x8d: {  	[tilespmem:s24+$0xFFFFFFB0] =	vst v5  }
0x8e: {  	[tilespmem:s24+$0xFFFFFFC0] =	vst v4  }
0x8f: {  	[tilespmem:s24+$0xFFFFFFD0] =	vst v0  }
0x90: {  	[tilespmem:s24+$0xFFFFFFE0] =	vst v1  }
0x91: {  	s25 =	sadd.s32 s21, s10;
	s26 =	simm.s32 $0x1C780;
	[tilespmem:s24+$0xFFFFFFF0] =	vst v2  }
0x92: {  	s28 =	simm.s32 $0x1C880;
	s29 =	sadd.s32 $0x0, s25;
	[tilespmem:s24+$0xFFFFFF90] =	vst v3;
	s24 =	simm.s32 $0x80  }
.LBB2_13:
0x93: {  	[hbm4b:s29+s6] =	stream.linear.scatter [tilespmem:s26], [sflag:$0x5], $0x80, $0x38;
	[tilespmem:$0x1E700] =	vst v63  }
0x94: {  	s29 =	smov.u32 s24;
	s26 =	smov.u32 s28;
	p1 =	sne.s32 s24, $0xF80  }
.Ltmp9:
0x95: {  	s24 =	sadd.s32 $0x80, s24;
	(pc) =	sbr.rel @p1 .LBB2_13-.Ltmp9, $2  }
0x96: {  	_ =	sdelay $0x2  }
0x97: {  	s28 =	sadd.s32 $0x100, s28;
	s29 =	sadd.s32 s29, s25  }
0x98: {  	p1 =	sne.s32 s20, $0xC;
	p2 =	seq.s32 s23, $0xF  }
0x99: {  	p1 =	por !p1, !p2  }
0x9a: {  	p1 =	por !p1, !p1  }
.Ltmp10:
0x9b: {  	_ = 	snop;
	(pc) =	sbr.rel @!p1 .LBB2_18-.Ltmp10, $4  }
0x9c: {  	_ = 	snop  }
0x9d: {  	[hbm4b:s29+s6] =	stream.linear.scatter [tilespmem:s26], [sflag:$0x5], $0x80, $0x38;
	[tilespmem:$0x1E700] =	vst v63  }
0x9e: {  	s31 =	sadd.s32 $0x1, s22  }
0x9f: {  	s22 =	sshll.u32 s31, $0x7;
	s23 =	sand.u32 $0x70, s31  }
0xa0: {  	s24 =	sand.u32 $0xFFFC000, s22;
	s25 =	sadd.s32 s3, s23  }
0xa1: {  	s26 =	simm.s32 $0x80;
	s24 =	sadd.s32 s24, s25  }
0xa2: {  	s28 =	simm.s32 $0x18800;
	s25 =	simm.s32 $0x18700;
	s29 =	sadd.s32 $0x0, s24  }
.LBB2_16:
0xa3: {  	[tilespmem:s25], [sflag:$0x2] =	stream.linear.gather [hbm4b:s29+s6], $0x80, $0x38;
	[tilespmem:$0x1E700] =	vst v63  }
0xa4: {  	s29 =	smov.u32 s26;
	s25 =	smov.u32 s28;
	p2 =	sne.s32 s26, $0x1F80  }
.Ltmp11:
0xa5: {  	s26 =	sadd.s32 $0x80, s26;
	(pc) =	sbr.rel @p2 .LBB2_16-.Ltmp11, $2  }
0xa6: {  	_ =	sdelay $0x2  }
0xa7: {  	s28 =	sadd.s32 $0x100, s28;
	s29 =	sadd.s32 s29, s24  }
0xa8: {  	[tilespmem:s25], [sflag:$0x2] =	stream.linear.gather [hbm4b:s29+s6], $0x80, $0x38;
	[tilespmem:$0x1E700] =	vst v63  }
.LBB2_18:
0xa9: {  	s24 =	simm.s32 @p0 $0x3  }
0xaa: {  	_ =	swait.ge @p0 [sflag:s24], $0x2000  }
0xab: {  	[sflag:s24] =	ssyncset.done @p0 $0x0  }
0xac: {  	[sflag:s24] =	ssyncadd.s32 @p0 $0xFFFFE000  }
0xad: {  	_ =	swait.ge [sflag:s17], $0x1000  }
0xae: {  	[sflag:s17] =	ssyncset.done $0x0  }
0xaf: {  	s31 =	simm.s32 $0x187F0;
	[sflag:s17] =	ssyncadd.s32 $0xFFFFF000  }
0xb0: {  	v0 =	vld [tilespmem:s31+$0x0]  }
0xb1: {  	v1 =	vld [tilespmem:s31+$0xFFFFFFA0]  }
0xb2: {  	v2 =	vld [tilespmem:s31+$0xFFFFFFB0]  }
0xb3: {  	v3 =	vld [tilespmem:s31+$0xFFFFFFC0]  }
0xb4: {  	v6 =	vld [tilespmem:s31+$0xFFFFFFD0]  }
0xb5: {  	v7 =	vld [tilespmem:s31+$0xFFFFFFE0]  }
0xb6: {  	v8 =	vld [tilespmem:s31+$0xFFFFFFF0]  }
0xb7: {  	v9 =	vld [tilespmem:s31+$0xFFFFFF90]  }
0xb8: {  	v10 =	vld.idx.msk [tilespmem:v0+s6+$0x0], $0xffff  }
0xb9: {  	v11 =	vld.idx.msk [tilespmem:v1+s6+$0x0], $0xffff  }
0xba: {  	v5 =	vld.idx.msk [tilespmem:v2+s6+$0x0], $0xffff  }
0xbb: {  	v4 =	vld.idx.msk [tilespmem:v3+s6+$0x0], $0xffff  }
0xbc: {  	v0 =	vld.idx.msk [tilespmem:v6+s6+$0x0], $0xffff  }
0xbd: {  	s24 =	simm.s32 $0x1C740;
	v1 =	vld.idx.msk [tilespmem:v7+s6+$0x0], $0xffff  }
0xbe: {  	v2 =	vld.idx.msk [tilespmem:v8+s6+$0x0], $0xffff;
	[tilespmem:s24+$0x30] =	vst v10  }
0xbf: {  	s25 =	simm.s32 $0x0;
	s26 =	simm.s32 $0x188F0;
	v3 =	vld.idx.msk [tilespmem:v9+s6+$0x0], $0xffff;
	[tilespmem:s24+$0xFFFFFFD0] =	vst v11  }
.LBB2_19:
0xc0: {  	v6 =	vld [tilespmem:s26+$0x0];
	s25 =	sadd.s32 $0x8, s25;
	[tilespmem:s24+$0xFFFFFFE0] =	vst v5  }
0xc1: {  	v5 =	vld [tilespmem:s26+$0xFFFFFFA0];
	p0 =	slt.u32 s25, $0xF8;
	[tilespmem:s24+$0xFFFFFFF0] =	vst v4  }
0xc2: {  	v4 =	vld [tilespmem:s26+$0xFFFFFFB0];
	[tilespmem:s24+$0x0] =	vst v0  }
0xc3: {  	v0 =	vld [tilespmem:s26+$0xFFFFFFC0];
	[tilespmem:s24+$0x10] =	vst v1  }
0xc4: {  	v1 =	vld [tilespmem:s26+$0xFFFFFFD0];
	[tilespmem:s24+$0x20] =	vst v2  }
0xc5: {  	v2 =	vld [tilespmem:s26+$0xFFFFFFE0];
	[tilespmem:s24+$0xFFFFFFC0] =	vst v3  }
0xc6: {  	v3 =	vld [tilespmem:s26+$0xFFFFFFF0]  }
0xc7: {  	v7 =	vld [tilespmem:s26+$0xFFFFFF90]  }
0xc8: {  	v6 =	vld.idx.msk [tilespmem:v6+s6+$0x0], $0xffff  }
0xc9: {  	v8 =	vld.idx.msk [tilespmem:v5+s6+$0x0], $0xffff  }
0xca: {  	v5 =	vld.idx.msk [tilespmem:v4+s6+$0x0], $0xffff  }
.Ltmp12:
0xcb: {  	v4 =	vld.idx.msk [tilespmem:v0+s6+$0x0], $0xffff;
	(pc) =	sbr.rel @p0 .LBB2_19-.Ltmp12, $4  }
0xcc: {  	v0 =	vld.idx.msk [tilespmem:v1+s6+$0x0], $0xffff  }
0xcd: {  	s24 =	sadd.s32 $0x100, s24;
	v1 =	vld.idx.msk [tilespmem:v2+s6+$0x0], $0xffff  }
0xce: {  	v2 =	vld.idx.msk [tilespmem:v3+s6+$0x0], $0xffff;
	[tilespmem:s24+$0x30] =	vst v6  }
0xcf: {  	s26 =	sadd.s32 $0x100, s26;
	v3 =	vld.idx.msk [tilespmem:v7+s6+$0x0], $0xffff;
	[tilespmem:s24+$0xFFFFFFD0] =	vst v8  }
0xd0: {  	[tilespmem:s24+$0xFFFFFFE0] =	vst v5  }
0xd1: {  	[tilespmem:s24+$0xFFFFFFF0] =	vst v4  }
0xd2: {  	[tilespmem:s24+$0x0] =	vst v0  }
0xd3: {  	[tilespmem:s24+$0x10] =	vst v1  }
0xd4: {  	s25 =	sadd.s32 s21, s11;
	s26 =	simm.s32 $0x1C700;
	[tilespmem:s24+$0x20] =	vst v2  }
0xd5: {  	s28 =	simm.s32 $0x1C800;
	s29 =	sadd.s32 $0x0, s25;
	[tilespmem:s24+$0xFFFFFFC0] =	vst v3;
	s24 =	simm.s32 $0x80  }
.LBB2_21:
0xd6: {  	[hbm4b:s29+s6] =	stream.linear.scatter [tilespmem:s26], [sflag:$0x4], $0x80, $0x38;
	[tilespmem:$0x1E700] =	vst v63  }
0xd7: {  	s29 =	smov.u32 s24;
	s26 =	smov.u32 s28;
	p0 =	sne.s32 s24, $0xF80  }
.Ltmp13:
0xd8: {  	s24 =	sadd.s32 $0x80, s24;
	(pc) =	sbr.rel @p0 .LBB2_21-.Ltmp13, $2  }
0xd9: {  	_ =	sdelay $0x2  }
0xda: {  	s28 =	sadd.s32 $0x100, s28;
	s29 =	sadd.s32 s29, s25  }
0xdb: {  	[hbm4b:s29+s6] =	stream.linear.scatter [tilespmem:s26], [sflag:$0x4], $0x80, $0x38;
	[tilespmem:$0x1E700] =	vst v63  }
0xdc: {  	_ =	swait.ge [sflag:s18], $0x1000  }
0xdd: {  	[sflag:s18] =	ssyncset.done $0x0  }
0xde: {  	s24 =	simm.s32 $0x1A7F0;
	[sflag:s18] =	ssyncadd.s32 $0xFFFFF000  }
0xdf: {  	v0 =	vld [tilespmem:s24+$0x0]  }
0xe0: {  	v1 =	vld [tilespmem:s24+$0xFFFFFFA0]  }
0xe1: {  	v2 =	vld [tilespmem:s24+$0xFFFFFFB0]  }
0xe2: {  	v3 =	vld [tilespmem:s24+$0xFFFFFFC0]  }
0xe3: {  	v6 =	vld [tilespmem:s24+$0xFFFFFFD0]  }
0xe4: {  	v7 =	vld [tilespmem:s24+$0xFFFFFFE0]  }
0xe5: {  	v8 =	vld [tilespmem:s24+$0xFFFFFFF0]  }
0xe6: {  	v9 =	vld [tilespmem:s24+$0xFFFFFF90]  }
0xe7: {  	v10 =	vld.idx.msk [tilespmem:v0+s6+$0x0], $0xffff  }
0xe8: {  	v11 =	vld.idx.msk [tilespmem:v1+s6+$0x0], $0xffff  }
0xe9: {  	v5 =	vld.idx.msk [tilespmem:v2+s6+$0x0], $0xffff  }
0xea: {  	v4 =	vld.idx.msk [tilespmem:v3+s6+$0x0], $0xffff  }
0xeb: {  	v0 =	vld.idx.msk [tilespmem:v6+s6+$0x0], $0xffff  }
0xec: {  	s24 =	simm.s32 $0x1C7F0;
	v1 =	vld.idx.msk [tilespmem:v7+s6+$0x0], $0xffff  }
0xed: {  	v2 =	vld.idx.msk [tilespmem:v8+s6+$0x0], $0xffff;
	[tilespmem:s24+$0x0] =	vst v10  }
0xee: {  	s25 =	simm.s32 $0x0;
	s26 =	simm.s32 $0x1A8F0;
	v3 =	vld.idx.msk [tilespmem:v9+s6+$0x0], $0xffff;
	[tilespmem:s24+$0xFFFFFFA0] =	vst v11  }
.LBB2_23:
0xef: {  	v6 =	vld [tilespmem:s26+$0x0];
	s25 =	sadd.s32 $0x8, s25;
	[tilespmem:s24+$0xFFFFFFB0] =	vst v5  }
0xf0: {  	v5 =	vld [tilespmem:s26+$0xFFFFFFA0];
	p0 =	slt.u32 s25, $0xF8;
	[tilespmem:s24+$0xFFFFFFC0] =	vst v4  }
0xf1: {  	v4 =	vld [tilespmem:s26+$0xFFFFFFB0];
	[tilespmem:s24+$0xFFFFFFD0] =	vst v0  }
0xf2: {  	v0 =	vld [tilespmem:s26+$0xFFFFFFC0];
	[tilespmem:s24+$0xFFFFFFE0] =	vst v1  }
0xf3: {  	v1 =	vld [tilespmem:s26+$0xFFFFFFD0];
	[tilespmem:s24+$0xFFFFFFF0] =	vst v2  }
0xf4: {  	v2 =	vld [tilespmem:s26+$0xFFFFFFE0];
	[tilespmem:s24+$0xFFFFFF90] =	vst v3  }
0xf5: {  	v3 =	vld [tilespmem:s26+$0xFFFFFFF0]  }
0xf6: {  	v7 =	vld [tilespmem:s26+$0xFFFFFF90]  }
0xf7: {  	v6 =	vld.idx.msk [tilespmem:v6+s6+$0x0], $0xffff  }
0xf8: {  	v8 =	vld.idx.msk [tilespmem:v5+s6+$0x0], $0xffff  }
0xf9: {  	v5 =	vld.idx.msk [tilespmem:v4+s6+$0x0], $0xffff  }
.Ltmp14:
0xfa: {  	v4 =	vld.idx.msk [tilespmem:v0+s6+$0x0], $0xffff;
	(pc) =	sbr.rel @p0 .LBB2_23-.Ltmp14, $4  }
0xfb: {  	v0 =	vld.idx.msk [tilespmem:v1+s6+$0x0], $0xffff  }
0xfc: {  	s24 =	sadd.s32 $0x100, s24;
	v1 =	vld.idx.msk [tilespmem:v2+s6+$0x0], $0xffff  }
0xfd: {  	v2 =	vld.idx.msk [tilespmem:v3+s6+$0x0], $0xffff;
	[tilespmem:s24+$0x0] =	vst v6  }
0xfe: {  	s26 =	sadd.s32 $0x100, s26;
	v3 =	vld.idx.msk [tilespmem:v7+s6+$0x0], $0xffff;
	[tilespmem:s24+$0xFFFFFFA0] =	vst v8  }
0xff: {  	[tilespmem:s24+$0xFFFFFFB0] =	vst v5  }
0x100: {  	[tilespmem:s24+$0xFFFFFFC0] =	vst v4  }
0x101: {  	[tilespmem:s24+$0xFFFFFFD0] =	vst v0  }
0x102: {  	[tilespmem:s24+$0xFFFFFFE0] =	vst v1  }
0x103: {  	s21 =	sadd.s32 s21, s12;
	s25 =	simm.s32 $0x1C780;
	[tilespmem:s24+$0xFFFFFFF0] =	vst v2  }
0x104: {  	s26 =	simm.s32 $0x1C880;
	s28 =	sadd.s32 $0x0, s21;
	[tilespmem:s24+$0xFFFFFF90] =	vst v3;
	s24 =	simm.s32 $0x80  }
.LBB2_25:
0x105: {  	[hbm4b:s28+s6] =	stream.linear.scatter [tilespmem:s25], [sflag:$0x5], $0x80, $0x38;
	[tilespmem:$0x1E700] =	vst v63  }
0x106: {  	s28 =	smov.u32 s24;
	s25 =	smov.u32 s26;
	p0 =	sne.s32 s24, $0xF80  }
.Ltmp15:
0x107: {  	s24 =	sadd.s32 $0x80, s24;
	(pc) =	sbr.rel @p0 .LBB2_25-.Ltmp15, $2  }
0x108: {  	_ =	sdelay $0x2  }
0x109: {  	s26 =	sadd.s32 $0x100, s26;
	s28 =	sadd.s32 s28, s21  }
.Ltmp16:
0x10a: {  	(pc) =	sbr.rel @!p1 .LBB2_30-.Ltmp16, $2  }
0x10b: {  	_ =	sdelay $0x2  }
0x10c: {  	[hbm4b:s28+s6] =	stream.linear.scatter [tilespmem:s25], [sflag:$0x5], $0x80, $0x38;
	[tilespmem:$0x1E700] =	vst v63  }
0x10d: {  	s21 =	sand.u32 $0xFFFC000, s22  }
0x10e: {  	s21 =	sor.u32 s21, s23  }
0x10f: {  	s22 =	simm.s32 $0x18780;
	s21 =	sadd.s32 s21, s7  }
0x110: {  	s24 =	simm.s32 $0x18880;
	s23 =	simm.s32 $0x80;
	s25 =	sadd.s32 $0x0, s21  }
.LBB2_28:
0x111: {  	[tilespmem:s22], [sflag:$0x3] =	stream.linear.gather [hbm4b:s25+s6], $0x80, $0x38;
	[tilespmem:$0x1E700] =	vst v63  }
0x112: {  	s25 =	smov.u32 s23;
	s22 =	smov.u32 s24;
	p0 =	sne.s32 s23, $0x1F80  }
.Ltmp17:
0x113: {  	s23 =	sadd.s32 $0x80, s23;
	(pc) =	sbr.rel @p0 .LBB2_28-.Ltmp17, $2  }
0x114: {  	_ =	sdelay $0x2  }
0x115: {  	s24 =	sadd.s32 $0x100, s24;
	s25 =	sadd.s32 s25, s21  }
.Ltmp18:
0x116: {  	(pc) =	sbr.rel .LBB2_30-.Ltmp18, $2  }
0x117: {  	_ =	sdelay $0x2  }
0x118: {  	[tilespmem:s22], [sflag:$0x3] =	stream.linear.gather [hbm4b:s25+s6], $0x80, $0x38;
	[tilespmem:$0x1E700] =	vst v63  }
.LBB2_32:
0x119: {  	_ =	sfence.sel $0x180000  }
0x11a: {  	[bflag:$0x0] =	sbarrier.arrive $0xFFFF  }
0x11b: {  	p0 =	sne.s32 s0, $0x0;
	_ =	strace $0x90000047  }
0x11c: {  	s0 =	sadd.s32 @!p0 $0x100000, s2;
	[bflag:$0x2] =	sbarrier.arrive $0xFFFF  }
0x11d: {  	[sflag:s0] =	ssyncadd.tile.s32 @!p0 $0x1;
	_ =	shalt  }
.Lfunc_end2:
_tile_overlayer_lowered:
.L_overlay_start_2:
0x11e: {  	(tag) =	ssettag $0x2  }
0x11f: {  	s0 =	rddreg [dreg:$0x0];
	s2 =	stileid.u32  }
0x120: {  	s1 =	rddreg [dreg:$0x1];
	p0 =	sne.s32 s2, $0x0  }
0x121: {  	s3 =	rddreg [dreg:$0x2];
	[bflag:$0x3] =	sbarrier.arrive $0xFFFF;
	s2 =	simm.s32 @!p0 $0x1C06  }
0x122: {  	[timem:s3], [sflag:s2] =	dma.local @!p0 [hbm:s0], s1  }
0x123: {  	s0 =	simm.s32 @!p0 $0x6  }
0x124: {  	_ =	swait.ge @!p0 [sflag:s0], s1  }
0x125: {  	s1 =	ssub.s32 @!p0 $0x0, s1;
	[sflag:s0] =	ssyncset.done @!p0 $0x0  }
0x126: {  	[sflag:s0] =	ssyncadd.s32 @!p0 s1  }
0x127: {  	[bflag:$0x3] =	sbarrier.arrive $0xFFFF  }
0x128: {  	_ =	shalt  }

</sc_bundles>
